<compile_context>
chip_gen: v7x
topology: tpu7x:2x2x1
jax: 0.10.2.dev20260603
libtpu: 0.0.44.dev20260713+nightly
codegen_flags: <defaults>
</compile_context>

<pallas_src>
import functools

import jax
import jax.numpy as jnp
from jax import lax
from jax.experimental import pallas as pl
from jax.experimental.pallas import tpu as pltpu
from jax.experimental.pallas import tpu_sc as plsc

N = 10000
E = 320000
D = 128
G = 64
FP = 512

NC = 2
NS = 16
NW = NC * NS
B = 80
CH = E // (NW * B)
W = CH
TR = 632
TRL = N - (NS - 1) * TR

BLK = 2000
NBLK = N // BLK
PW = 512



@functools.cache
def _sc_mesh():
    return plsc.VectorSubcoreMesh(
        core_axis_name="c", subcore_axis_name="s", num_cores=NC, num_subcores=NS)


def _zero(zeros_hbm, dst, s):
    base = jnp.minimum(s * TR, N - TR)
    pltpu.sync_copy(zeros_hbm, dst.at[pl.ds(base, TR)])


def _staged(src, dst, s):
    base = jnp.minimum(s * TR, N - TR)
    pltpu.sync_copy(src.at[pl.ds(base, TR)], dst.at[pl.ds(base, TR)])


def _deg_body(edges, ones_hbm, zeros_hbm, out, dst_all, ones_v, acc):
    c = lax.axis_index("c")
    s = lax.axis_index("s")
    w = c * NS + s
    _zero(zeros_hbm, acc, s)
    pltpu.sync_copy(ones_hbm, ones_v)
    pltpu.sync_copy(edges.at[1].at[w], dst_all)
    plsc.subcore_barrier()

    def chunk(i, carry):
        pltpu.sync_copy(ones_v, acc.at[dst_all.at[i]], add=True)
        return carry

    lax.fori_loop(0, CH, chunk, 0)
    plsc.subcore_barrier()
    _staged(acc, out.at[c], s)


@functools.cache
def _deg_kernel():
    return pl.kernel(
        _deg_body,
        out_type=jax.ShapeDtypeStruct((NC, N, D), jnp.float32),
        mesh=_sc_mesh(),
        scratch_types=[
            pltpu.VMEM((CH, B), jnp.int32),
            pltpu.VMEM((B, D), jnp.float32),
            pltpu.VMEM_SHARED((N, D), jnp.float32),
        ],
    )


def _agg_body(table, srcf, edges, zeros_hbm, out,
              src_flat, dst_w, rows, gsems, ssems, acc):
    c = lax.axis_index("c")
    s = lax.axis_index("s")
    w = c * NS + s
    _zero(zeros_hbm, acc, s)
    pltpu.sync_copy(srcf.at[w], src_flat)
    pltpu.sync_copy(edges.at[1].at[w], dst_w)
    plsc.subcore_barrier()

    def gath(i, j):
        pltpu.async_copy(table.at[src_flat.at[pl.ds(i * B, B)]],
                         rows.at[j], gsems[j])

    def gwait(i, j):
        pltpu.make_async_copy(table.at[src_flat.at[pl.ds(i * B, B)]],
                              rows.at[j], gsems[j]).wait()

    def scat(i, j):
        pltpu.async_copy(rows.at[j], acc.at[dst_w.at[i]], ssems[j], add=True)

    def swait(i, j):
        pltpu.make_async_copy(rows.at[j], acc.at[dst_w.at[i]], ssems[j]).wait()

    def ssync(i, j):
        scat(i, j)
        swait(i, j)

    gath(0, 0)

    def pair(k, carry):
        i = 2 * k
        gath(i + 1, 1)
        gwait(i, 0)
        ssync(i, 0)
        gath(i + 2, 0)
        gwait(i + 1, 1)
        ssync(i + 1, 1)
        return carry

    lax.fori_loop(0, (W - 1) // 2, pair, 0)
    gwait(W - 1, 0)
    ssync(W - 1, 0)

    plsc.subcore_barrier()
    _staged(acc, out.at[c], s)


@functools.cache
def _agg_kernel():
    return pl.kernel(
        _agg_body,
        out_type=jax.ShapeDtypeStruct((NC, N, D), jnp.float32),
        mesh=_sc_mesh(),
        scratch_types=[
            pltpu.VMEM((W * B,), jnp.int32),
            pltpu.VMEM((W, B), jnp.int32),
            pltpu.VMEM((2, B, D), jnp.float32),
            [pltpu.SemaphoreType.DMA] * 2,
            [pltpu.SemaphoreType.DMA] * 2,
            pltpu.VMEM_SHARED((N, D), jnp.float32),
        ],
    )




def _dinv(deg2_ref):
    deg = deg2_ref[0, :, :1] + deg2_ref[1, :, :1] + 1.0
    return lax.rsqrt(deg)


def _conv1_body(x_ref, w1_ref, deg2_ref, hs1_ref, dinv_ref):
    dinv = _dinv(deg2_ref)
    h = jnp.dot(x_ref[...], w1_ref[...], preferred_element_type=jnp.float32)
    hs1_ref[...] = h * dinv
    dinv_ref[...] = jnp.broadcast_to(dinv, (BLK, 8))


def _conv2_body(agg_ref, hs1_ref, dinv8_ref, b1_ref, w2_ref, hs2_ref):
    dinv = dinv8_ref[:, :1]
    h1 = dinv * (agg_ref[0] + agg_ref[1] + hs1_ref[...]) + b1_ref[...]
    h1 = jnp.maximum(h1, 0.0)
    hs2_ref[...] = jnp.dot(h1, w2_ref[...], preferred_element_type=jnp.float32) * dinv


def _pool_body(agg_ref, hs2_ref, dinv8_ref, b2_ref, ww_ref, bw_ref,
               bc_ref, wout_ref, bout_ref, out_ref, wsum_ref, pmax_ref,
               h2s_ref, stats_ref):
    i = pl.program_id(0)

    @pl.when(i == 0)
    def _init():
        wsum_ref[...] = jnp.zeros_like(wsum_ref)
        pmax_ref[...] = jnp.full_like(pmax_ref, -jnp.inf)

    dinv = dinv8_ref[:, :1]
    h2 = dinv * (agg_ref[0] + agg_ref[1] + hs2_ref[...]) + b2_ref[...]
    h2 = jnp.maximum(h2, 0.0)
    wgt = jax.nn.sigmoid(
        jnp.dot(h2, ww_ref[...], preferred_element_type=jnp.float32) + bw_ref[0, 0])
    bc = bc_ref[...]
    giota = lax.broadcasted_iota(jnp.int32, (1, G), 1).astype(jnp.float32)
    onehot = (bc == giota).astype(jnp.float32)
    wsum_ref[...] += lax.dot_general(
        onehot, h2 * wgt, (((0,), (0,)), ((), ())),
        preferred_element_type=jnp.float32)

    gmin = jnp.min(bc).astype(jnp.int32)
    gmax = jnp.max(bc).astype(jnp.int32)

    onesc = jnp.ones((BLK, 1), jnp.float32)
    cnt = lax.dot_general(onehot, onesc, (((0,), (0,)), ((), ())),
                          preferred_element_type=jnp.float32)
    sgt = (lax.broadcasted_iota(jnp.int32, (G, G), 1)
           < lax.broadcasted_iota(jnp.int32, (G, G), 0)).astype(jnp.float32)
    starts = jnp.dot(sgt, cnt, preferred_element_type=jnp.float32)
    h2s_ref[...] = h2
    stats_ref[:, 0:1] = cnt
    stats_ref[:, 1:2] = starts

    def seg(g, carry):
        gf = g.astype(jnp.float32)
        c_g = stats_ref[g, 0]
        st = jnp.minimum(stats_ref[g, 1].astype(jnp.int32), BLK - PW)

        @pl.when(c_g <= float(PW))
        def _small():
            m = bc_ref[pl.ds(st, PW), :] == gf
            cm = jnp.max(jnp.where(m, h2s_ref[pl.ds(st, PW), :], -jnp.inf),
                         axis=0, keepdims=True)
            pmax_ref[pl.ds(g, 1), :] = jnp.maximum(pmax_ref[pl.ds(g, 1), :], cm)

        @pl.when(c_g > float(PW))
        def _big():
            m = bc_ref[...] == gf
            cm = jnp.max(jnp.where(m, h2s_ref[...], -jnp.inf),
                         axis=0, keepdims=True)
            pmax_ref[pl.ds(g, 1), :] = jnp.maximum(pmax_ref[pl.ds(g, 1), :], cm)

        return carry

    lax.fori_loop(gmin, gmax + 1, seg, 0)

    @pl.when(i == NBLK - 1)
    def _final():
        acc = jnp.dot(wsum_ref[...], wout_ref[:D], preferred_element_type=jnp.float32)
        acc += jnp.dot(pmax_ref[...], wout_ref[D:], preferred_element_type=jnp.float32)
        out_ref[...] = jnp.maximum(acc + bout_ref[...], 0.0)


def _row_block(i):
    return (i, 0)


def _row_block3(i):
    return (0, i, 0)


def _whole(i):
    return (0, 0)


_deg_spec = pl.BlockSpec((NC, BLK, D), _row_block3)
_agg_spec = pl.BlockSpec((NC, BLK, D), _row_block3)

_conv1 = pl.pallas_call(
    _conv1_body,
    grid=(NBLK,),
    in_specs=[
        pl.BlockSpec((BLK, D), _row_block),
        pl.BlockSpec((D, D), _whole),
        _deg_spec,
    ],
    out_specs=[
        pl.BlockSpec((BLK, D), _row_block),
        pl.BlockSpec((BLK, 8), _row_block),
    ],
    out_shape=[
        jax.ShapeDtypeStruct((N, D), jnp.float32),
        jax.ShapeDtypeStruct((N, 8), jnp.float32),
    ],
)

_conv2 = pl.pallas_call(
    _conv2_body,
    grid=(NBLK,),
    in_specs=[
        _agg_spec,
        pl.BlockSpec((BLK, D), _row_block),
        pl.BlockSpec((BLK, 8), _row_block),
        pl.BlockSpec((1, D), _whole),
        pl.BlockSpec((D, D), _whole),
    ],
    out_specs=pl.BlockSpec((BLK, D), _row_block),
    out_shape=jax.ShapeDtypeStruct((N, D), jnp.float32),
)

_pool = pl.pallas_call(
    _pool_body,
    grid=(NBLK,),
    in_specs=[
        _agg_spec,
        pl.BlockSpec((BLK, D), _row_block),
        pl.BlockSpec((BLK, 8), _row_block),
        pl.BlockSpec((1, D), _whole),
        pl.BlockSpec((D, 1), _whole),
        pl.BlockSpec((1, 1), _whole),
        pl.BlockSpec((BLK, 1), _row_block),
        pl.BlockSpec((2 * D, FP), _whole),
        pl.BlockSpec((1, FP), _whole),
    ],
    out_specs=pl.BlockSpec((G, FP), _whole),
    out_shape=jax.ShapeDtypeStruct((G, FP), jnp.float32),
    scratch_shapes=[
        pltpu.VMEM((G, D), jnp.float32),
        pltpu.VMEM((G, D), jnp.float32),
        pltpu.VMEM((BLK, D), jnp.float32),
        pltpu.VMEM((G, 8), jnp.float32),
    ],
)




def kernel(feats, edge_index, batch, W1, b1, W2, b2, Ww, bw, Wout, bout):
    edges = edge_index.reshape(2, NW, W, B)
    srcf = edge_index[0].reshape(NW, W * B)
    batch_col = batch.astype(jnp.float32).reshape(N, 1)
    zeros128 = jnp.zeros((TR, D), jnp.float32)
    ones128 = jnp.ones((B, D), jnp.float32)
    b1r = b1.reshape(1, D)
    b2r = b2.reshape(1, D)
    bwr = bw.reshape(1, 1)
    boutr = bout.reshape(1, FP)

    deg2 = _deg_kernel()(edges, ones128, zeros128)
    hs1, dinv8 = _conv1(feats, W1, deg2)
    agg1 = _agg_kernel()(hs1, srcf, edges, zeros128)
    hs2 = _conv2(agg1, hs1, dinv8, b1r, W2)
    agg2 = _agg_kernel()(hs2, srcf, edges, zeros128)
    out = _pool(agg2, hs2, dinv8, b2r, Ww, bwr, batch_col, Wout, boutr)
    return out

# --- scband reference (transcript-rebuilt; emitter-appended) ---
"""Pipeline reference for scband-graph-fingerprint-59390807769385 (READ-ONLY COPY).

The authoritative reference and input builder live on the scoring server;
editing this copy changes nothing except your own understanding.
"""

import jax, jax.numpy as jnp
import numpy as np

N = 10000
E = 320000
D = 128
H1 = 128
H2 = 128
G = 64
POOL_OUT = H2 * 2
FP = 512


def setup_inputs(seed: int = 0) -> dict:
    key = jax.random.key(seed)
    ks = jax.random.split(key, 12)
    feats = jax.random.normal(ks[0], (N, D), dtype=jnp.float32)
    edge_index = jax.random.randint(ks[1], (2, E), 0, N, dtype=jnp.int32)
    batch = jnp.sort(jax.random.randint(ks[2], (N,), 0, G, dtype=jnp.int32))
    W1 = jax.random.normal(ks[3], (D, H1), dtype=jnp.float32) * (1.0 / np.sqrt(D))
    b1 = jnp.zeros((H1,), dtype=jnp.float32)
    W2 = jax.random.normal(ks[4], (H1, H2), dtype=jnp.float32) * (1.0 / np.sqrt(H1))
    b2 = jnp.zeros((H2,), dtype=jnp.float32)
    Ww = jax.random.normal(ks[5], (H2, 1), dtype=jnp.float32) * (1.0 / np.sqrt(H2))
    bw = jnp.zeros((1,), dtype=jnp.float32)
    Wout = jax.random.normal(ks[6], (POOL_OUT, FP), dtype=jnp.float32) * (1.0 / np.sqrt(POOL_OUT))
    bout = jnp.zeros((FP,), dtype=jnp.float32)
    return {"feats": feats, "edge_index": edge_index, "batch": batch,
            "W1": W1, "b1": b1, "W2": W2, "b2": b2,
            "Ww": Ww, "bw": bw, "Wout": Wout, "bout": bout}


def _gcn_conv(x, edge_index, W, b):
    # PyG-style GCNConv: add self-loops, symmetric normalization, xW then aggregate + bias
    n = x.shape[0]
    loop = jnp.arange(n, dtype=edge_index.dtype)
    src = jnp.concatenate([edge_index[0], loop])
    dst = jnp.concatenate([edge_index[1], loop])
    h = x @ W
    deg = jnp.zeros((n,), dtype=x.dtype).at[dst].add(1.0)
    dinv = jnp.where(deg > 0, 1.0 / jnp.sqrt(deg), 0.0)
    norm = dinv[src] * dinv[dst]
    msg = h[src] * norm[:, None]
    out = jax.ops.segment_sum(msg, dst, num_segments=n)
    return out + b


def reference(feats, edge_index, batch, W1, b1, W2, b2, Ww, bw, Wout, bout):
    h = _gcn_conv(feats, edge_index, W1, b1)
    h = jax.nn.relu(h)
    h = _gcn_conv(h, edge_index, W2, b2)
    h = jax.nn.relu(h)
    # PoolWeightedSum
    weights = jax.nn.sigmoid(h @ Ww + bw).squeeze(-1)
    wsum = jax.ops.segment_sum(h * weights[:, None], batch, num_segments=G)
    # PoolMax
    pmax = jax.ops.segment_max(h, batch, num_segments=G)
    pooled = jnp.concatenate([wsum, pmax], axis=1)
    out = jax.nn.relu(pooled @ Wout + bout)
    return out

if __name__ == "__main__":
    import jax
    _d = setup_inputs()
    print(jax.jit(kernel)(*tuple(_d.values())))

</pallas_src>

<mosaic_0001>
#map = affine_map<(d0, d1) -> (0, 0)>
#map1 = affine_map<(d0, d1) -> (0, 0, 0, 0)>
#map2 = affine_map<(d0, d1) -> (0, 0, 0)>
module attributes {stable_mosaic.version = 14 : i64} {
  func.func @_agg_body(%arg0: i32, %arg1: i32, %arg2: memref<10000x128xf32, #tpu.memory_space<hbm>>, %arg3: memref<32x10000xi32, #tpu.memory_space<hbm>>, %arg4: memref<2x32x125x80xi32, #tpu.memory_space<hbm>>, %arg5: memref<632x128xf32, #tpu.memory_space<hbm>>, %arg6: memref<2x10000x128xf32, #tpu.memory_space<hbm>>, %arg7: memref<10000xi32, #tpu.memory_space<vmem>>, %arg8: memref<125x80xi32, #tpu.memory_space<vmem>>, %arg9: memref<2x80x128xf32, #tpu.memory_space<vmem>>, %arg10: memref<!tpu.dma_semaphore, #tpu.memory_space<semaphore_mem>>, %arg11: memref<!tpu.dma_semaphore, #tpu.memory_space<semaphore_mem>>, %arg12: memref<!tpu.dma_semaphore, #tpu.memory_space<semaphore_mem>>, %arg13: memref<!tpu.dma_semaphore, #tpu.memory_space<semaphore_mem>>, %arg14: memref<10000x128xf32, #tpu.memory_space<vmem_shared>>) attributes {dimension_semantics = [#tpu.dimension_semantics<core_parallel>, #tpu.dimension_semantics<subcore_parallel>], iteration_bounds = array<i64: 2, 16>, scalar_prefetch = 0 : i64, scratch_operands = 8 : i64, tpu.core_type = #tpu.core_type<sc_vector_subcore>, window_params = [{transform_indices = #map}, {transform_indices = #map}, {transform_indices = #map1}, {transform_indices = #map}, {transform_indices = #map2}]} {
    %mul3A = arith.constant 16 : i32
    %mul3A_0 = arith.muli %arg0, %mul3A : i32
    %add3A = arith.addi %mul3A_0, %arg1 : i32
    %mul3A_1 = arith.constant 632 : i32
    %mul3A_2 = arith.muli %arg1, %mul3A_1 : i32
    %min3A = arith.constant 9368 : i32
    %min3A_3 = arith.minsi %mul3A_2, %min3A : i32
    "tpu.region"() ({
      %run_scoped3A_56 = tpu.sem_alloc : memref<!tpu.dma_semaphore, #tpu.memory_space<semaphore_mem>>
      %dma_start3A_57 = arith.constant 0 : i32
      %dma_start3A_58 = tpu.memref_slice %arg14[%min3A_3, %dma_start3A_57] : memref<10000x128xf32, #tpu.memory_space<vmem_shared>> -> memref<632x128xf32, #tpu.memory_space<vmem_shared>>
      tpu.enqueue_dma source(%arg5 : memref<632x128xf32, #tpu.memory_space<hbm>>) target(%dma_start3A_58 : memref<632x128xf32, #tpu.memory_space<vmem_shared>>) target_semaphore(%run_scoped3A_56 : memref<!tpu.dma_semaphore, #tpu.memory_space<semaphore_mem>>)
      %dma_wait3A_59 = arith.constant 0 : i32
      %dma_wait3A_60 = tpu.memref_slice %arg14[%min3A_3, %dma_wait3A_59] : memref<10000x128xf32, #tpu.memory_space<vmem_shared>> -> memref<632x128xf32, #tpu.memory_space<vmem_shared>>
      tpu.wait_dma2 semaphore(%run_scoped3A_56 : memref<!tpu.dma_semaphore, #tpu.memory_space<semaphore_mem>>) src(%arg5 : memref<632x128xf32, #tpu.memory_space<hbm>>) dst(%dma_wait3A_60 : memref<632x128xf32, #tpu.memory_space<vmem_shared>>)
      tpu.yield
    }) : () -> ()
    "tpu.region"() ({
      %run_scoped3A_56 = tpu.sem_alloc : memref<!tpu.dma_semaphore, #tpu.memory_space<semaphore_mem>>
      %dma_start3A_57 = arith.constant 0 : i32
      %dma_start3A_58 = tpu.memref_slice %arg3[%add3A, %dma_start3A_57] : memref<32x10000xi32, #tpu.memory_space<hbm>> -> memref<1x10000xi32, #tpu.memory_space<hbm>>
      %dma_start3A_59 = tpu.memref_squeeze %dma_start3A_58 : memref<1x10000xi32, #tpu.memory_space<hbm>> -> memref<10000xi32, #tpu.memory_space<hbm>>
      %dma_start3A_60 = arith.constant 0 : i32
      %dma_start3A_61 = tpu.memref_slice %arg3[%add3A, %dma_start3A_60] : memref<32x10000xi32, #tpu.memory_space<hbm>> -> memref<1x10000xi32, #tpu.memory_space<hbm>>
      %dma_start3A_62 = tpu.memref_squeeze %dma_start3A_61 : memref<1x10000xi32, #tpu.memory_space<hbm>> -> memref<10000xi32, #tpu.memory_space<hbm>>
      tpu.enqueue_dma source(%dma_start3A_62 : memref<10000xi32, #tpu.memory_space<hbm>>) target(%arg7 : memref<10000xi32, #tpu.memory_space<vmem>>) target_semaphore(%run_scoped3A_56 : memref<!tpu.dma_semaphore, #tpu.memory_space<semaphore_mem>>)
      %dma_wait3A_63 = arith.constant 0 : i32
      %dma_wait3A_64 = tpu.memref_slice %arg3[%add3A, %dma_wait3A_63] : memref<32x10000xi32, #tpu.memory_space<hbm>> -> memref<1x10000xi32, #tpu.memory_space<hbm>>
      %dma_wait3A_65 = tpu.memref_squeeze %dma_wait3A_64 : memref<1x10000xi32, #tpu.memory_space<hbm>> -> memref<10000xi32, #tpu.memory_space<hbm>>
      %dma_wait3A_66 = arith.constant 0 : i32
      %dma_wait3A_67 = tpu.memref_slice %arg3[%add3A, %dma_wait3A_66] : memref<32x10000xi32, #tpu.memory_space<hbm>> -> memref<1x10000xi32, #tpu.memory_space<hbm>>
      %dma_wait3A_68 = tpu.memref_squeeze %dma_wait3A_67 : memref<1x10000xi32, #tpu.memory_space<hbm>> -> memref<10000xi32, #tpu.memory_space<hbm>>
      tpu.wait_dma2 semaphore(%run_scoped3A_56 : memref<!tpu.dma_semaphore, #tpu.memory_space<semaphore_mem>>) src(%dma_wait3A_68 : memref<10000xi32, #tpu.memory_space<hbm>>) dst(%arg7 : memref<10000xi32, #tpu.memory_space<vmem>>)
      tpu.yield
    }) : () -> ()
    %run_scoped3A = arith.constant 1 : i32
    "tpu.region"() ({
      %run_scoped3A_56 = tpu.sem_alloc : memref<!tpu.dma_semaphore, #tpu.memory_space<semaphore_mem>>
      %dma_start3A_57 = arith.constant 0 : i32
      %dma_start3A_58 = arith.constant 0 : i32
      %dma_start3A_59 = arith.constant 0 : i32
      %dma_start3A_60 = tpu.memref_slice %arg4[%run_scoped3A, %dma_start3A_57, %dma_start3A_58, %dma_start3A_59] : memref<2x32x125x80xi32, #tpu.memory_space<hbm>> -> memref<1x32x125x80xi32, #tpu.memory_space<hbm>>
      %dma_start3A_61 = tpu.memref_squeeze %dma_start3A_60 : memref<1x32x125x80xi32, #tpu.memory_space<hbm>> -> memref<32x125x80xi32, #tpu.memory_space<hbm>>
      %dma_start3A_62 = arith.constant 0 : i32
      %dma_start3A_63 = arith.constant 0 : i32
      %dma_start3A_64 = tpu.memref_slice %dma_start3A_61[%add3A, %dma_start3A_62, %dma_start3A_63] : memref<32x125x80xi32, #tpu.memory_space<hbm>> -> memref<1x125x80xi32, #tpu.memory_space<hbm>>
      %dma_start3A_65 = tpu.memref_squeeze %dma_start3A_64 : memref<1x125x80xi32, #tpu.memory_space<hbm>> -> memref<125x80xi32, #tpu.memory_space<hbm>>
      %dma_start3A_66 = arith.constant 0 : i32
      %dma_start3A_67 = arith.constant 0 : i32
      %dma_start3A_68 = arith.constant 0 : i32
      %dma_start3A_69 = tpu.memref_slice %arg4[%run_scoped3A, %dma_start3A_66, %dma_start3A_67, %dma_start3A_68] : memref<2x32x125x80xi32, #tpu.memory_space<hbm>> -> memref<1x32x125x80xi32, #tpu.memory_space<hbm>>
      %dma_start3A_70 = tpu.memref_squeeze %dma_start3A_69 : memref<1x32x125x80xi32, #tpu.memory_space<hbm>> -> memref<32x125x80xi32, #tpu.memory_space<hbm>>
      %dma_start3A_71 = arith.constant 0 : i32
      %dma_start3A_72 = arith.constant 0 : i32
      %dma_start3A_73 = tpu.memref_slice %dma_start3A_70[%add3A, %dma_start3A_71, %dma_start3A_72] : memref<32x125x80xi32, #tpu.memory_space<hbm>> -> memref<1x125x80xi32, #tpu.memory_space<hbm>>
      %dma_start3A_74 = tpu.memref_squeeze %dma_start3A_73 : memref<1x125x80xi32, #tpu.memory_space<hbm>> -> memref<125x80xi32, #tpu.memory_space<hbm>>
      tpu.enqueue_dma source(%dma_start3A_74 : memref<125x80xi32, #tpu.memory_space<hbm>>) target(%arg8 : memref<125x80xi32, #tpu.memory_space<vmem>>) target_semaphore(%run_scoped3A_56 : memref<!tpu.dma_semaphore, #tpu.memory_space<semaphore_mem>>)
      %dma_wait3A_75 = arith.constant 0 : i32
      %dma_wait3A_76 = arith.constant 0 : i32
      %dma_wait3A_77 = arith.constant 0 : i32
      %dma_wait3A_78 = tpu.memref_slice %arg4[%run_scoped3A, %dma_wait3A_75, %dma_wait3A_76, %dma_wait3A_77] : memref<2x32x125x80xi32, #tpu.memory_space<hbm>> -> memref<1x32x125x80xi32, #tpu.memory_space<hbm>>
      %dma_wait3A_79 = tpu.memref_squeeze %dma_wait3A_78 : memref<1x32x125x80xi32, #tpu.memory_space<hbm>> -> memref<32x125x80xi32, #tpu.memory_space<hbm>>
      %dma_wait3A_80 = arith.constant 0 : i32
      %dma_wait3A_81 = arith.constant 0 : i32
      %dma_wait3A_82 = tpu.memref_slice %dma_wait3A_79[%add3A, %dma_wait3A_80, %dma_wait3A_81] : memref<32x125x80xi32, #tpu.memory_space<hbm>> -> memref<1x125x80xi32, #tpu.memory_space<hbm>>
      %dma_wait3A_83 = tpu.memref_squeeze %dma_wait3A_82 : memref<1x125x80xi32, #tpu.memory_space<hbm>> -> memref<125x80xi32, #tpu.memory_space<hbm>>
      %dma_wait3A_84 = arith.constant 0 : i32
      %dma_wait3A_85 = arith.constant 0 : i32
      %dma_wait3A_86 = arith.constant 0 : i32
      %dma_wait3A_87 = tpu.memref_slice %arg4[%run_scoped3A, %dma_wait3A_84, %dma_wait3A_85, %dma_wait3A_86] : memref<2x32x125x80xi32, #tpu.memory_space<hbm>> -> memref<1x32x125x80xi32, #tpu.memory_space<hbm>>
      %dma_wait3A_88 = tpu.memref_squeeze %dma_wait3A_87 : memref<1x32x125x80xi32, #tpu.memory_space<hbm>> -> memref<32x125x80xi32, #tpu.memory_space<hbm>>
      %dma_wait3A_89 = arith.constant 0 : i32
      %dma_wait3A_90 = arith.constant 0 : i32
      %dma_wait3A_91 = tpu.memref_slice %dma_wait3A_88[%add3A, %dma_wait3A_89, %dma_wait3A_90] : memref<32x125x80xi32, #tpu.memory_space<hbm>> -> memref<1x125x80xi32, #tpu.memory_space<hbm>>
      %dma_wait3A_92 = tpu.memref_squeeze %dma_wait3A_91 : memref<1x125x80xi32, #tpu.memory_space<hbm>> -> memref<125x80xi32, #tpu.memory_space<hbm>>
      tpu.wait_dma2 semaphore(%run_scoped3A_56 : memref<!tpu.dma_semaphore, #tpu.memory_space<semaphore_mem>>) src(%dma_wait3A_92 : memref<125x80xi32, #tpu.memory_space<hbm>>) dst(%arg8 : memref<125x80xi32, #tpu.memory_space<vmem>>)
      tpu.yield
    }) : () -> ()
    %barrier3A = arith.constant 0 : index
    tpu.barrier barrier_id(%barrier3A)
    %dma_start3A = arith.constant 0 : i32
    %dma_start3A_4 = arith.constant 0 : i32
    %dma_start3A_5 = arith.constant 0 : i32
    %dma_start3A_6 = tpu.memref_slice %arg9[%dma_start3A, %dma_start3A_4, %dma_start3A_5] : memref<2x80x128xf32, #tpu.memory_space<vmem>> -> memref<1x80x128xf32, #tpu.memory_space<vmem>>
    %dma_start3A_7 = tpu.memref_squeeze %dma_start3A_6 : memref<1x80x128xf32, #tpu.memory_space<vmem>> -> memref<80x128xf32, #tpu.memory_space<vmem>>
    %dma_start3A_8 = arith.constant 0 : i32
    %dma_start3A_9 = tpu.memref_slice %arg7[%dma_start3A_8] : memref<10000xi32, #tpu.memory_space<vmem>> -> memref<80xi32, #tpu.memory_space<vmem>>
    %dma_start3A_10 = arith.constant 0 : i32
    %dma_start3A_11 = arith.constant 0 : i32
    %dma_start3A_12 = tpu.memref_slice %arg2[%dma_start3A_10, %dma_start3A_11] : memref<10000x128xf32, #tpu.memory_space<hbm>> -> memref<10000x128xf32, #tpu.memory_space<hbm>>
    tpu.enqueue_indirect_dma source(%dma_start3A_12 : memref<10000x128xf32, #tpu.memory_space<hbm>>) target(%dma_start3A_7 : memref<80x128xf32, #tpu.memory_space<vmem>>) offsets(%dma_start3A_9 : memref<80xi32, #tpu.memory_space<vmem>>) semaphore(%arg10 : memref<!tpu.dma_semaphore, #tpu.memory_space<semaphore_mem>>)
    %scan3A = arith.constant 0 : i32
    %scan3A_13 = arith.constant 0 : i32
    %scan3A_14 = arith.constant 62 : i32
    %scan3A_15 = arith.addi %scan3A_13, %scan3A_14 : i32
    %scan3A_16 = arith.constant 1 : i32
    scf.for %scan3A_56 = %scan3A_13 to %scan3A_15 step %scan3A_16  : i32 {
      %mul3A_57 = arith.constant 2 : i32
      %mul3A_58 = arith.muli %mul3A_57, %scan3A_56 : i32
      %add3A_59 = arith.constant 1 : i32
      %add3A_60 = arith.addi %mul3A_58, %add3A_59 : i32
      %mul3A_61 = arith.constant 80 : i32
      %mul3A_62 = arith.muli %add3A_60, %mul3A_61 : i32
      %dma_start3A_63 = arith.constant 1 : i32
      %dma_start3A_64 = arith.constant 0 : i32
      %dma_start3A_65 = arith.constant 0 : i32
      %dma_start3A_66 = tpu.memref_slice %arg9[%dma_start3A_63, %dma_start3A_64, %dma_start3A_65] : memref<2x80x128xf32, #tpu.memory_space<vmem>> -> memref<1x80x128xf32, #tpu.memory_space<vmem>>
      %dma_start3A_67 = tpu.memref_squeeze %dma_start3A_66 : memref<1x80x128xf32, #tpu.memory_space<vmem>> -> memref<80x128xf32, #tpu.memory_space<vmem>>
      %dma_start3A_68 = tpu.memref_slice %arg7[%mul3A_62] : memref<10000xi32, #tpu.memory_space<vmem>> -> memref<80xi32, #tpu.memory_space<vmem>>
      %dma_start3A_69 = arith.constant 0 : i32
      %dma_start3A_70 = arith.constant 0 : i32
      %dma_start3A_71 = tpu.memref_slice %arg2[%dma_start3A_69, %dma_start3A_70] : memref<10000x128xf32, #tpu.memory_space<hbm>> -> memref<10000x128xf32, #tpu.memory_space<hbm>>
      tpu.enqueue_indirect_dma source(%dma_start3A_71 : memref<10000x128xf32, #tpu.memory_space<hbm>>) target(%dma_start3A_67 : memref<80x128xf32, #tpu.memory_space<vmem>>) offsets(%dma_start3A_68 : memref<80xi32, #tpu.memory_space<vmem>>) semaphore(%arg11 : memref<!tpu.dma_semaphore, #tpu.memory_space<semaphore_mem>>)
      %mul3A_72 = arith.constant 80 : i32
      %mul3A_73 = arith.muli %mul3A_58, %mul3A_72 : i32
      %dma_wait3A_74 = arith.constant 0 : i32
      %dma_wait3A_75 = arith.constant 0 : i32
      %dma_wait3A_76 = arith.constant 0 : i32
      %dma_wait3A_77 = tpu.memref_slice %arg9[%dma_wait3A_74, %dma_wait3A_75, %dma_wait3A_76] : memref<2x80x128xf32, #tpu.memory_space<vmem>> -> memref<1x80x128xf32, #tpu.memory_space<vmem>>
      %dma_wait3A_78 = tpu.memref_squeeze %dma_wait3A_77 : memref<1x80x128xf32, #tpu.memory_space<vmem>> -> memref<80x128xf32, #tpu.memory_space<vmem>>
      %dma_wait3A_79 = tpu.memref_slice %arg7[%mul3A_73] : memref<10000xi32, #tpu.memory_space<vmem>> -> memref<80xi32, #tpu.memory_space<vmem>>
      %dma_wait3A_80 = arith.constant 0 : i32
      %dma_wait3A_81 = arith.constant 0 : i32
      %dma_wait3A_82 = tpu.memref_slice %arg2[%dma_wait3A_80, %dma_wait3A_81] : memref<10000x128xf32, #tpu.memory_space<hbm>> -> memref<10000x128xf32, #tpu.memory_space<hbm>>
      tpu.wait_indirect_dma semaphore(%arg10 : memref<!tpu.dma_semaphore, #tpu.memory_space<semaphore_mem>>) src(%dma_wait3A_82 : memref<10000x128xf32, #tpu.memory_space<hbm>>) dst(%dma_wait3A_78 : memref<80x128xf32, #tpu.memory_space<vmem>>)
      %dma_start3A_83 = arith.constant 0 : i32
      %dma_start3A_84 = arith.constant 0 : i32
      %dma_start3A_85 = arith.constant 0 : i32
      %dma_start3A_86 = tpu.memref_slice %arg9[%dma_start3A_83, %dma_start3A_84, %dma_start3A_85] : memref<2x80x128xf32, #tpu.memory_space<vmem>> -> memref<1x80x128xf32, #tpu.memory_space<vmem>>
      %dma_start3A_87 = tpu.memref_squeeze %dma_start3A_86 : memref<1x80x128xf32, #tpu.memory_space<vmem>> -> memref<80x128xf32, #tpu.memory_space<vmem>>
      %dma_start3A_88 = arith.constant 0 : i32
      %dma_start3A_89 = tpu.memref_slice %arg8[%mul3A_58, %dma_start3A_88] : memref<125x80xi32, #tpu.memory_space<vmem>> -> memref<1x80xi32, #tpu.memory_space<vmem>>
      %dma_start3A_90 = tpu.memref_squeeze %dma_start3A_89 : memref<1x80xi32, #tpu.memory_space<vmem>> -> memref<80xi32, #tpu.memory_space<vmem>>
      %dma_start3A_91 = arith.constant 0 : i32
      %dma_start3A_92 = arith.constant 0 : i32
      %dma_start3A_93 = tpu.memref_slice %arg14[%dma_start3A_91, %dma_start3A_92] : memref<10000x128xf32, #tpu.memory_space<vmem_shared>> -> memref<10000x128xf32, #tpu.memory_space<vmem_shared>>
      tpu.enqueue_indirect_dma source(%dma_start3A_87 : memref<80x128xf32, #tpu.memory_space<vmem>>) target(%dma_start3A_93 : memref<10000x128xf32, #tpu.memory_space<vmem_shared>>) offsets(%dma_start3A_90 : memref<80xi32, #tpu.memory_space<vmem>>) semaphore(%arg12 : memref<!tpu.dma_semaphore, #tpu.memory_space<semaphore_mem>>) {add = true}
      %dma_wait3A_94 = arith.constant 0 : i32
      %dma_wait3A_95 = arith.constant 0 : i32
      %dma_wait3A_96 = arith.constant 0 : i32
      %dma_wait3A_97 = tpu.memref_slice %arg9[%dma_wait3A_94, %dma_wait3A_95, %dma_wait3A_96] : memref<2x80x128xf32, #tpu.memory_space<vmem>> -> memref<1x80x128xf32, #tpu.memory_space<vmem>>
      %dma_wait3A_98 = tpu.memref_squeeze %dma_wait3A_97 : memref<1x80x128xf32, #tpu.memory_space<vmem>> -> memref<80x128xf32, #tpu.memory_space<vmem>>
      %dma_wait3A_99 = arith.constant 0 : i32
      %dma_wait3A_100 = tpu.memref_slice %arg8[%mul3A_58, %dma_wait3A_99] : memref<125x80xi32, #tpu.memory_space<vmem>> -> memref<1x80xi32, #tpu.memory_space<vmem>>
      %dma_wait3A_101 = tpu.memref_squeeze %dma_wait3A_100 : memref<1x80xi32, #tpu.memory_space<vmem>> -> memref<80xi32, #tpu.memory_space<vmem>>
      %dma_wait3A_102 = arith.constant 0 : i32
      %dma_wait3A_103 = arith.constant 0 : i32
      %dma_wait3A_104 = tpu.memref_slice %arg14[%dma_wait3A_102, %dma_wait3A_103] : memref<10000x128xf32, #tpu.memory_space<vmem_shared>> -> memref<10000x128xf32, #tpu.memory_space<vmem_shared>>
      tpu.wait_indirect_dma semaphore(%arg12 : memref<!tpu.dma_semaphore, #tpu.memory_space<semaphore_mem>>) src(%dma_wait3A_98 : memref<80x128xf32, #tpu.memory_space<vmem>>) dst(%dma_wait3A_104 : memref<10000x128xf32, #tpu.memory_space<vmem_shared>>)
      %add3A_105 = arith.constant 2 : i32
      %add3A_106 = arith.addi %mul3A_58, %add3A_105 : i32
      %mul3A_107 = arith.constant 80 : i32
      %mul3A_108 = arith.muli %add3A_106, %mul3A_107 : i32
      %dma_start3A_109 = arith.constant 0 : i32
      %dma_start3A_110 = arith.constant 0 : i32
      %dma_start3A_111 = arith.constant 0 : i32
      %dma_start3A_112 = tpu.memref_slice %arg9[%dma_start3A_109, %dma_start3A_110, %dma_start3A_111] : memref<2x80x128xf32, #tpu.memory_space<vmem>> -> memref<1x80x128xf32, #tpu.memory_space<vmem>>
      %dma_start3A_113 = tpu.memref_squeeze %dma_start3A_112 : memref<1x80x128xf32, #tpu.memory_space<vmem>> -> memref<80x128xf32, #tpu.memory_space<vmem>>
      %dma_start3A_114 = tpu.memref_slice %arg7[%mul3A_108] : memref<10000xi32, #tpu.memory_space<vmem>> -> memref<80xi32, #tpu.memory_space<vmem>>
      %dma_start3A_115 = arith.constant 0 : i32
      %dma_start3A_116 = arith.constant 0 : i32
      %dma_start3A_117 = tpu.memref_slice %arg2[%dma_start3A_115, %dma_start3A_116] : memref<10000x128xf32, #tpu.memory_space<hbm>> -> memref<10000x128xf32, #tpu.memory_space<hbm>>
      tpu.enqueue_indirect_dma source(%dma_start3A_117 : memref<10000x128xf32, #tpu.memory_space<hbm>>) target(%dma_start3A_113 : memref<80x128xf32, #tpu.memory_space<vmem>>) offsets(%dma_start3A_114 : memref<80xi32, #tpu.memory_space<vmem>>) semaphore(%arg10 : memref<!tpu.dma_semaphore, #tpu.memory_space<semaphore_mem>>)
      %add3A_118 = arith.constant 1 : i32
      %add3A_119 = arith.addi %mul3A_58, %add3A_118 : i32
      %mul3A_120 = arith.constant 80 : i32
      %mul3A_121 = arith.muli %add3A_119, %mul3A_120 : i32
      %dma_wait3A_122 = arith.constant 1 : i32
      %dma_wait3A_123 = arith.constant 0 : i32
      %dma_wait3A_124 = arith.constant 0 : i32
      %dma_wait3A_125 = tpu.memref_slice %arg9[%dma_wait3A_122, %dma_wait3A_123, %dma_wait3A_124] : memref<2x80x128xf32, #tpu.memory_space<vmem>> -> memref<1x80x128xf32, #tpu.memory_space<vmem>>
      %dma_wait3A_126 = tpu.memref_squeeze %dma_wait3A_125 : memref<1x80x128xf32, #tpu.memory_space<vmem>> -> memref<80x128xf32, #tpu.memory_space<vmem>>
      %dma_wait3A_127 = tpu.memref_slice %arg7[%mul3A_121] : memref<10000xi32, #tpu.memory_space<vmem>> -> memref<80xi32, #tpu.memory_space<vmem>>
      %dma_wait3A_128 = arith.constant 0 : i32
      %dma_wait3A_129 = arith.constant 0 : i32
      %dma_wait3A_130 = tpu.memref_slice %arg2[%dma_wait3A_128, %dma_wait3A_129] : memref<10000x128xf32, #tpu.memory_space<hbm>> -> memref<10000x128xf32, #tpu.memory_space<hbm>>
      tpu.wait_indirect_dma semaphore(%arg11 : memref<!tpu.dma_semaphore, #tpu.memory_space<semaphore_mem>>) src(%dma_wait3A_130 : memref<10000x128xf32, #tpu.memory_space<hbm>>) dst(%dma_wait3A_126 : memref<80x128xf32, #tpu.memory_space<vmem>>)
      %add3A_131 = arith.constant 1 : i32
      %add3A_132 = arith.addi %mul3A_58, %add3A_131 : i32
      %dma_start3A_133 = arith.constant 1 : i32
      %dma_start3A_134 = arith.constant 0 : i32
      %dma_start3A_135 = arith.constant 0 : i32
      %dma_start3A_136 = tpu.memref_slice %arg9[%dma_start3A_133, %dma_start3A_134, %dma_start3A_135] : memref<2x80x128xf32, #tpu.memory_space<vmem>> -> memref<1x80x128xf32, #tpu.memory_space<vmem>>
      %dma_start3A_137 = tpu.memref_squeeze %dma_start3A_136 : memref<1x80x128xf32, #tpu.memory_space<vmem>> -> memref<80x128xf32, #tpu.memory_space<vmem>>
      %dma_start3A_138 = arith.constant 0 : i32
      %dma_start3A_139 = tpu.memref_slice %arg8[%add3A_132, %dma_start3A_138] : memref<125x80xi32, #tpu.memory_space<vmem>> -> memref<1x80xi32, #tpu.memory_space<vmem>>
      %dma_start3A_140 = tpu.memref_squeeze %dma_start3A_139 : memref<1x80xi32, #tpu.memory_space<vmem>> -> memref<80xi32, #tpu.memory_space<vmem>>
      %dma_start3A_141 = arith.constant 0 : i32
      %dma_start3A_142 = arith.constant 0 : i32
      %dma_start3A_143 = tpu.memref_slice %arg14[%dma_start3A_141, %dma_start3A_142] : memref<10000x128xf32, #tpu.memory_space<vmem_shared>> -> memref<10000x128xf32, #tpu.memory_space<vmem_shared>>
      tpu.enqueue_indirect_dma source(%dma_start3A_137 : memref<80x128xf32, #tpu.memory_space<vmem>>) target(%dma_start3A_143 : memref<10000x128xf32, #tpu.memory_space<vmem_shared>>) offsets(%dma_start3A_140 : memref<80xi32, #tpu.memory_space<vmem>>) semaphore(%arg13 : memref<!tpu.dma_semaphore, #tpu.memory_space<semaphore_mem>>) {add = true}
      %dma_wait3A_144 = arith.constant 1 : i32
      %dma_wait3A_145 = arith.constant 0 : i32
      %dma_wait3A_146 = arith.constant 0 : i32
      %dma_wait3A_147 = tpu.memref_slice %arg9[%dma_wait3A_144, %dma_wait3A_145, %dma_wait3A_146] : memref<2x80x128xf32, #tpu.memory_space<vmem>> -> memref<1x80x128xf32, #tpu.memory_space<vmem>>
      %dma_wait3A_148 = tpu.memref_squeeze %dma_wait3A_147 : memref<1x80x128xf32, #tpu.memory_space<vmem>> -> memref<80x128xf32, #tpu.memory_space<vmem>>
      %dma_wait3A_149 = arith.constant 0 : i32
      %dma_wait3A_150 = tpu.memref_slice %arg8[%add3A_132, %dma_wait3A_149] : memref<125x80xi32, #tpu.memory_space<vmem>> -> memref<1x80xi32, #tpu.memory_space<vmem>>
      %dma_wait3A_151 = tpu.memref_squeeze %dma_wait3A_150 : memref<1x80xi32, #tpu.memory_space<vmem>> -> memref<80xi32, #tpu.memory_space<vmem>>
      %dma_wait3A_152 = arith.constant 0 : i32
      %dma_wait3A_153 = arith.constant 0 : i32
      %dma_wait3A_154 = tpu.memref_slice %arg14[%dma_wait3A_152, %dma_wait3A_153] : memref<10000x128xf32, #tpu.memory_space<vmem_shared>> -> memref<10000x128xf32, #tpu.memory_space<vmem_shared>>
      tpu.wait_indirect_dma semaphore(%arg13 : memref<!tpu.dma_semaphore, #tpu.memory_space<semaphore_mem>>) src(%dma_wait3A_148 : memref<80x128xf32, #tpu.memory_space<vmem>>) dst(%dma_wait3A_154 : memref<10000x128xf32, #tpu.memory_space<vmem_shared>>)
    }
    %scan3A_17 = arith.constant 62 : i32
    %dma_wait3A = arith.constant 0 : i32
    %dma_wait3A_18 = arith.constant 0 : i32
    %dma_wait3A_19 = arith.constant 0 : i32
    %dma_wait3A_20 = tpu.memref_slice %arg9[%dma_wait3A, %dma_wait3A_18, %dma_wait3A_19] : memref<2x80x128xf32, #tpu.memory_space<vmem>> -> memref<1x80x128xf32, #tpu.memory_space<vmem>>
    %dma_wait3A_21 = tpu.memref_squeeze %dma_wait3A_20 : memref<1x80x128xf32, #tpu.memory_space<vmem>> -> memref<80x128xf32, #tpu.memory_space<vmem>>
    %dma_wait3A_22 = arith.constant 9920 : i32
    %dma_wait3A_23 = tpu.memref_slice %arg7[%dma_wait3A_22] : memref<10000xi32, #tpu.memory_space<vmem>> -> memref<80xi32, #tpu.memory_space<vmem>>
    %dma_wait3A_24 = arith.constant 0 : i32
    %dma_wait3A_25 = arith.constant 0 : i32
    %dma_wait3A_26 = tpu.memref_slice %arg2[%dma_wait3A_24, %dma_wait3A_25] : memref<10000x128xf32, #tpu.memory_space<hbm>> -> memref<10000x128xf32, #tpu.memory_space<hbm>>
    tpu.wait_indirect_dma semaphore(%arg10 : memref<!tpu.dma_semaphore, #tpu.memory_space<semaphore_mem>>) src(%dma_wait3A_26 : memref<10000x128xf32, #tpu.memory_space<hbm>>) dst(%dma_wait3A_21 : memref<80x128xf32, #tpu.memory_space<vmem>>)
    %dma_start3A_27 = arith.constant 0 : i32
    %dma_start3A_28 = arith.constant 124 : i32
    %dma_start3A_29 = arith.constant 0 : i32
    %dma_start3A_30 = arith.constant 0 : i32
    %dma_start3A_31 = tpu.memref_slice %arg9[%dma_start3A_27, %dma_start3A_29, %dma_start3A_30] : memref<2x80x128xf32, #tpu.memory_space<vmem>> -> memref<1x80x128xf32, #tpu.memory_space<vmem>>
    %dma_start3A_32 = tpu.memref_squeeze %dma_start3A_31 : memref<1x80x128xf32, #tpu.memory_space<vmem>> -> memref<80x128xf32, #tpu.memory_space<vmem>>
    %dma_start3A_33 = arith.constant 0 : i32
    %dma_start3A_34 = tpu.memref_slice %arg8[%dma_start3A_28, %dma_start3A_33] : memref<125x80xi32, #tpu.memory_space<vmem>> -> memref<1x80xi32, #tpu.memory_space<vmem>>
    %dma_start3A_35 = tpu.memref_squeeze %dma_start3A_34 : memref<1x80xi32, #tpu.memory_space<vmem>> -> memref<80xi32, #tpu.memory_space<vmem>>
    %dma_start3A_36 = arith.constant 0 : i32
    %dma_start3A_37 = arith.constant 0 : i32
    %dma_start3A_38 = tpu.memref_slice %arg14[%dma_start3A_36, %dma_start3A_37] : memref<10000x128xf32, #tpu.memory_space<vmem_shared>> -> memref<10000x128xf32, #tpu.memory_space<vmem_shared>>
    tpu.enqueue_indirect_dma source(%dma_start3A_32 : memref<80x128xf32, #tpu.memory_space<vmem>>) target(%dma_start3A_38 : memref<10000x128xf32, #tpu.memory_space<vmem_shared>>) offsets(%dma_start3A_35 : memref<80xi32, #tpu.memory_space<vmem>>) semaphore(%arg12 : memref<!tpu.dma_semaphore, #tpu.memory_space<semaphore_mem>>) {add = true}
    %dma_wait3A_39 = arith.constant 0 : i32
    %dma_wait3A_40 = arith.constant 124 : i32
    %dma_wait3A_41 = arith.constant 0 : i32
    %dma_wait3A_42 = arith.constant 0 : i32
    %dma_wait3A_43 = tpu.memref_slice %arg9[%dma_wait3A_39, %dma_wait3A_41, %dma_wait3A_42] : memref<2x80x128xf32, #tpu.memory_space<vmem>> -> memref<1x80x128xf32, #tpu.memory_space<vmem>>
    %dma_wait3A_44 = tpu.memref_squeeze %dma_wait3A_43 : memref<1x80x128xf32, #tpu.memory_space<vmem>> -> memref<80x128xf32, #tpu.memory_space<vmem>>
    %dma_wait3A_45 = arith.constant 0 : i32
    %dma_wait3A_46 = tpu.memref_slice %arg8[%dma_wait3A_40, %dma_wait3A_45] : memref<125x80xi32, #tpu.memory_space<vmem>> -> memref<1x80xi32, #tpu.memory_space<vmem>>
    %dma_wait3A_47 = tpu.memref_squeeze %dma_wait3A_46 : memref<1x80xi32, #tpu.memory_space<vmem>> -> memref<80xi32, #tpu.memory_space<vmem>>
    %dma_wait3A_48 = arith.constant 0 : i32
    %dma_wait3A_49 = arith.constant 0 : i32
    %dma_wait3A_50 = tpu.memref_slice %arg14[%dma_wait3A_48, %dma_wait3A_49] : memref<10000x128xf32, #tpu.memory_space<vmem_shared>> -> memref<10000x128xf32, #tpu.memory_space<vmem_shared>>
    tpu.wait_indirect_dma semaphore(%arg12 : memref<!tpu.dma_semaphore, #tpu.memory_space<semaphore_mem>>) src(%dma_wait3A_44 : memref<80x128xf32, #tpu.memory_space<vmem>>) dst(%dma_wait3A_50 : memref<10000x128xf32, #tpu.memory_space<vmem_shared>>)
    %barrier3A_51 = arith.constant 0 : index
    tpu.barrier barrier_id(%barrier3A_51)
    %mul3A_52 = arith.constant 632 : i32
    %mul3A_53 = arith.muli %arg1, %mul3A_52 : i32
    %min3A_54 = arith.constant 9368 : i32
    %min3A_55 = arith.minsi %mul3A_53, %min3A_54 : i32
    "tpu.region"() ({
      %run_scoped3A_56 = tpu.sem_alloc : memref<!tpu.dma_semaphore, #tpu.memory_space<semaphore_mem>>
      %dma_start3A_57 = arith.constant 0 : i32
      %dma_start3A_58 = arith.constant 0 : i32
      %dma_start3A_59 = tpu.memref_slice %arg6[%arg0, %dma_start3A_57, %dma_start3A_58] : memref<2x10000x128xf32, #tpu.memory_space<hbm>> -> memref<1x10000x128xf32, #tpu.memory_space<hbm>>
      %dma_start3A_60 = tpu.memref_squeeze %dma_start3A_59 : memref<1x10000x128xf32, #tpu.memory_space<hbm>> -> memref<10000x128xf32, #tpu.memory_space<hbm>>
      %dma_start3A_61 = arith.constant 0 : i32
      %dma_start3A_62 = tpu.memref_slice %dma_start3A_60[%min3A_55, %dma_start3A_61] : memref<10000x128xf32, #tpu.memory_space<hbm>> -> memref<632x128xf32, #tpu.memory_space<hbm>>
      %dma_start3A_63 = arith.constant 0 : i32
      %dma_start3A_64 = tpu.memref_slice %arg14[%min3A_55, %dma_start3A_63] : memref<10000x128xf32, #tpu.memory_space<vmem_shared>> -> memref<632x128xf32, #tpu.memory_space<vmem_shared>>
      tpu.enqueue_dma source(%dma_start3A_64 : memref<632x128xf32, #tpu.memory_space<vmem_shared>>) target(%dma_start3A_62 : memref<632x128xf32, #tpu.memory_space<hbm>>) target_semaphore(%run_scoped3A_56 : memref<!tpu.dma_semaphore, #tpu.memory_space<semaphore_mem>>)
      %dma_wait3A_65 = arith.constant 0 : i32
      %dma_wait3A_66 = arith.constant 0 : i32
      %dma_wait3A_67 = tpu.memref_slice %arg6[%arg0, %dma_wait3A_65, %dma_wait3A_66] : memref<2x10000x128xf32, #tpu.memory_space<hbm>> -> memref<1x10000x128xf32, #tpu.memory_space<hbm>>
      %dma_wait3A_68 = tpu.memref_squeeze %dma_wait3A_67 : memref<1x10000x128xf32, #tpu.memory_space<hbm>> -> memref<10000x128xf32, #tpu.memory_space<hbm>>
      %dma_wait3A_69 = arith.constant 0 : i32
      %dma_wait3A_70 = tpu.memref_slice %dma_wait3A_68[%min3A_55, %dma_wait3A_69] : memref<10000x128xf32, #tpu.memory_space<hbm>> -> memref<632x128xf32, #tpu.memory_space<hbm>>
      %dma_wait3A_71 = arith.constant 0 : i32
      %dma_wait3A_72 = tpu.memref_slice %arg14[%min3A_55, %dma_wait3A_71] : memref<10000x128xf32, #tpu.memory_space<vmem_shared>> -> memref<632x128xf32, #tpu.memory_space<vmem_shared>>
      tpu.wait_dma2 semaphore(%run_scoped3A_56 : memref<!tpu.dma_semaphore, #tpu.memory_space<semaphore_mem>>) src(%dma_wait3A_72 : memref<632x128xf32, #tpu.memory_space<vmem_shared>>) dst(%dma_wait3A_70 : memref<632x128xf32, #tpu.memory_space<hbm>>)
      tpu.yield
    }) : () -> ()
    return
  }
}

#map = affine_map<(d0, d1) -> (0, 0, 0, 0)>
#map1 = affine_map<(d0, d1) -> (0, 0)>
#map2 = affine_map<(d0, d1) -> (0, 0, 0)>
module attributes {stable_mosaic.version = 14 : i64} {
  func.func @_deg_body(%arg0: i32, %arg1: i32, %arg2: memref<2x32x125x80xi32, #tpu.memory_space<hbm>>, %arg3: memref<80x128xf32, #tpu.memory_space<hbm>>, %arg4: memref<632x128xf32, #tpu.memory_space<hbm>>, %arg5: memref<2x10000x128xf32, #tpu.memory_space<hbm>>, %arg6: memref<125x80xi32, #tpu.memory_space<vmem>>, %arg7: memref<80x128xf32, #tpu.memory_space<vmem>>, %arg8: memref<10000x128xf32, #tpu.memory_space<vmem_shared>>) attributes {dimension_semantics = [#tpu.dimension_semantics<core_parallel>, #tpu.dimension_semantics<subcore_parallel>], iteration_bounds = array<i64: 2, 16>, scalar_prefetch = 0 : i64, scratch_operands = 3 : i64, tpu.core_type = #tpu.core_type<sc_vector_subcore>, window_params = [{transform_indices = #map}, {transform_indices = #map1}, {transform_indices = #map1}, {transform_indices = #map2}]} {
    %mul3A = arith.constant 16 : i32
    %mul3A_0 = arith.muli %arg0, %mul3A : i32
    %add3A = arith.addi %mul3A_0, %arg1 : i32
    %mul3A_1 = arith.constant 632 : i32
    %mul3A_2 = arith.muli %arg1, %mul3A_1 : i32
    %min3A = arith.constant 9368 : i32
    %min3A_3 = arith.minsi %mul3A_2, %min3A : i32
    "tpu.region"() ({
      %run_scoped3A_14 = tpu.sem_alloc : memref<!tpu.dma_semaphore, #tpu.memory_space<semaphore_mem>>
      %dma_start3A = arith.constant 0 : i32
      %dma_start3A_15 = tpu.memref_slice %arg8[%min3A_3, %dma_start3A] : memref<10000x128xf32, #tpu.memory_space<vmem_shared>> -> memref<632x128xf32, #tpu.memory_space<vmem_shared>>
      tpu.enqueue_dma source(%arg4 : memref<632x128xf32, #tpu.memory_space<hbm>>) target(%dma_start3A_15 : memref<632x128xf32, #tpu.memory_space<vmem_shared>>) target_semaphore(%run_scoped3A_14 : memref<!tpu.dma_semaphore, #tpu.memory_space<semaphore_mem>>)
      %dma_wait3A = arith.constant 0 : i32
      %dma_wait3A_16 = tpu.memref_slice %arg8[%min3A_3, %dma_wait3A] : memref<10000x128xf32, #tpu.memory_space<vmem_shared>> -> memref<632x128xf32, #tpu.memory_space<vmem_shared>>
      tpu.wait_dma2 semaphore(%run_scoped3A_14 : memref<!tpu.dma_semaphore, #tpu.memory_space<semaphore_mem>>) src(%arg4 : memref<632x128xf32, #tpu.memory_space<hbm>>) dst(%dma_wait3A_16 : memref<632x128xf32, #tpu.memory_space<vmem_shared>>)
      tpu.yield
    }) : () -> ()
    "tpu.region"() ({
      %run_scoped3A_14 = tpu.sem_alloc : memref<!tpu.dma_semaphore, #tpu.memory_space<semaphore_mem>>
      tpu.enqueue_dma source(%arg3 : memref<80x128xf32, #tpu.memory_space<hbm>>) target(%arg7 : memref<80x128xf32, #tpu.memory_space<vmem>>) target_semaphore(%run_scoped3A_14 : memref<!tpu.dma_semaphore, #tpu.memory_space<semaphore_mem>>)
      tpu.wait_dma2 semaphore(%run_scoped3A_14 : memref<!tpu.dma_semaphore, #tpu.memory_space<semaphore_mem>>) src(%arg3 : memref<80x128xf32, #tpu.memory_space<hbm>>) dst(%arg7 : memref<80x128xf32, #tpu.memory_space<vmem>>)
      tpu.yield
    }) : () -> ()
    %run_scoped3A = arith.constant 1 : i32
    "tpu.region"() ({
      %run_scoped3A_14 = tpu.sem_alloc : memref<!tpu.dma_semaphore, #tpu.memory_space<semaphore_mem>>
      %dma_start3A = arith.constant 0 : i32
      %dma_start3A_15 = arith.constant 0 : i32
      %dma_start3A_16 = arith.constant 0 : i32
      %dma_start3A_17 = tpu.memref_slice %arg2[%run_scoped3A, %dma_start3A, %dma_start3A_15, %dma_start3A_16] : memref<2x32x125x80xi32, #tpu.memory_space<hbm>> -> memref<1x32x125x80xi32, #tpu.memory_space<hbm>>
      %dma_start3A_18 = tpu.memref_squeeze %dma_start3A_17 : memref<1x32x125x80xi32, #tpu.memory_space<hbm>> -> memref<32x125x80xi32, #tpu.memory_space<hbm>>
      %dma_start3A_19 = arith.constant 0 : i32
      %dma_start3A_20 = arith.constant 0 : i32
      %dma_start3A_21 = tpu.memref_slice %dma_start3A_18[%add3A, %dma_start3A_19, %dma_start3A_20] : memref<32x125x80xi32, #tpu.memory_space<hbm>> -> memref<1x125x80xi32, #tpu.memory_space<hbm>>
      %dma_start3A_22 = tpu.memref_squeeze %dma_start3A_21 : memref<1x125x80xi32, #tpu.memory_space<hbm>> -> memref<125x80xi32, #tpu.memory_space<hbm>>
      %dma_start3A_23 = arith.constant 0 : i32
      %dma_start3A_24 = arith.constant 0 : i32
      %dma_start3A_25 = arith.constant 0 : i32
      %dma_start3A_26 = tpu.memref_slice %arg2[%run_scoped3A, %dma_start3A_23, %dma_start3A_24, %dma_start3A_25] : memref<2x32x125x80xi32, #tpu.memory_space<hbm>> -> memref<1x32x125x80xi32, #tpu.memory_space<hbm>>
      %dma_start3A_27 = tpu.memref_squeeze %dma_start3A_26 : memref<1x32x125x80xi32, #tpu.memory_space<hbm>> -> memref<32x125x80xi32, #tpu.memory_space<hbm>>
      %dma_start3A_28 = arith.constant 0 : i32
      %dma_start3A_29 = arith.constant 0 : i32
      %dma_start3A_30 = tpu.memref_slice %dma_start3A_27[%add3A, %dma_start3A_28, %dma_start3A_29] : memref<32x125x80xi32, #tpu.memory_space<hbm>> -> memref<1x125x80xi32, #tpu.memory_space<hbm>>
      %dma_start3A_31 = tpu.memref_squeeze %dma_start3A_30 : memref<1x125x80xi32, #tpu.memory_space<hbm>> -> memref<125x80xi32, #tpu.memory_space<hbm>>
      tpu.enqueue_dma source(%dma_start3A_31 : memref<125x80xi32, #tpu.memory_space<hbm>>) target(%arg6 : memref<125x80xi32, #tpu.memory_space<vmem>>) target_semaphore(%run_scoped3A_14 : memref<!tpu.dma_semaphore, #tpu.memory_space<semaphore_mem>>)
      %dma_wait3A = arith.constant 0 : i32
      %dma_wait3A_32 = arith.constant 0 : i32
      %dma_wait3A_33 = arith.constant 0 : i32
      %dma_wait3A_34 = tpu.memref_slice %arg2[%run_scoped3A, %dma_wait3A, %dma_wait3A_32, %dma_wait3A_33] : memref<2x32x125x80xi32, #tpu.memory_space<hbm>> -> memref<1x32x125x80xi32, #tpu.memory_space<hbm>>
      %dma_wait3A_35 = tpu.memref_squeeze %dma_wait3A_34 : memref<1x32x125x80xi32, #tpu.memory_space<hbm>> -> memref<32x125x80xi32, #tpu.memory_space<hbm>>
      %dma_wait3A_36 = arith.constant 0 : i32
      %dma_wait3A_37 = arith.constant 0 : i32
      %dma_wait3A_38 = tpu.memref_slice %dma_wait3A_35[%add3A, %dma_wait3A_36, %dma_wait3A_37] : memref<32x125x80xi32, #tpu.memory_space<hbm>> -> memref<1x125x80xi32, #tpu.memory_space<hbm>>
      %dma_wait3A_39 = tpu.memref_squeeze %dma_wait3A_38 : memref<1x125x80xi32, #tpu.memory_space<hbm>> -> memref<125x80xi32, #tpu.memory_space<hbm>>
      %dma_wait3A_40 = arith.constant 0 : i32
      %dma_wait3A_41 = arith.constant 0 : i32
      %dma_wait3A_42 = arith.constant 0 : i32
      %dma_wait3A_43 = tpu.memref_slice %arg2[%run_scoped3A, %dma_wait3A_40, %dma_wait3A_41, %dma_wait3A_42] : memref<2x32x125x80xi32, #tpu.memory_space<hbm>> -> memref<1x32x125x80xi32, #tpu.memory_space<hbm>>
      %dma_wait3A_44 = tpu.memref_squeeze %dma_wait3A_43 : memref<1x32x125x80xi32, #tpu.memory_space<hbm>> -> memref<32x125x80xi32, #tpu.memory_space<hbm>>
      %dma_wait3A_45 = arith.constant 0 : i32
      %dma_wait3A_46 = arith.constant 0 : i32
      %dma_wait3A_47 = tpu.memref_slice %dma_wait3A_44[%add3A, %dma_wait3A_45, %dma_wait3A_46] : memref<32x125x80xi32, #tpu.memory_space<hbm>> -> memref<1x125x80xi32, #tpu.memory_space<hbm>>
      %dma_wait3A_48 = tpu.memref_squeeze %dma_wait3A_47 : memref<1x125x80xi32, #tpu.memory_space<hbm>> -> memref<125x80xi32, #tpu.memory_space<hbm>>
      tpu.wait_dma2 semaphore(%run_scoped3A_14 : memref<!tpu.dma_semaphore, #tpu.memory_space<semaphore_mem>>) src(%dma_wait3A_48 : memref<125x80xi32, #tpu.memory_space<hbm>>) dst(%arg6 : memref<125x80xi32, #tpu.memory_space<vmem>>)
      tpu.yield
    }) : () -> ()
    %barrier3A = arith.constant 0 : index
    tpu.barrier barrier_id(%barrier3A)
    %scan3A = arith.constant 0 : i32
    %scan3A_4 = arith.constant 0 : i32
    %scan3A_5 = arith.constant 125 : i32
    %scan3A_6 = arith.addi %scan3A_4, %scan3A_5 : i32
    %scan3A_7 = arith.constant 1 : i32
    scf.for %scan3A_14 = %scan3A_4 to %scan3A_6 step %scan3A_7  : i32 {
      "tpu.region"() ({
        %run_scoped3A_15 = tpu.sem_alloc : memref<!tpu.dma_semaphore, #tpu.memory_space<semaphore_mem>>
        %dma_start3A = arith.constant 0 : i32
        %dma_start3A_16 = tpu.memref_slice %arg6[%scan3A_14, %dma_start3A] : memref<125x80xi32, #tpu.memory_space<vmem>> -> memref<1x80xi32, #tpu.memory_space<vmem>>
        %dma_start3A_17 = tpu.memref_squeeze %dma_start3A_16 : memref<1x80xi32, #tpu.memory_space<vmem>> -> memref<80xi32, #tpu.memory_space<vmem>>
        %dma_start3A_18 = arith.constant 0 : i32
        %dma_start3A_19 = arith.constant 0 : i32
        %dma_start3A_20 = tpu.memref_slice %arg8[%dma_start3A_18, %dma_start3A_19] : memref<10000x128xf32, #tpu.memory_space<vmem_shared>> -> memref<10000x128xf32, #tpu.memory_space<vmem_shared>>
        tpu.enqueue_indirect_dma source(%arg7 : memref<80x128xf32, #tpu.memory_space<vmem>>) target(%dma_start3A_20 : memref<10000x128xf32, #tpu.memory_space<vmem_shared>>) offsets(%dma_start3A_17 : memref<80xi32, #tpu.memory_space<vmem>>) semaphore(%run_scoped3A_15 : memref<!tpu.dma_semaphore, #tpu.memory_space<semaphore_mem>>) {add = true}
        %dma_wait3A = arith.constant 0 : i32
        %dma_wait3A_21 = tpu.memref_slice %arg6[%scan3A_14, %dma_wait3A] : memref<125x80xi32, #tpu.memory_space<vmem>> -> memref<1x80xi32, #tpu.memory_space<vmem>>
        %dma_wait3A_22 = tpu.memref_squeeze %dma_wait3A_21 : memref<1x80xi32, #tpu.memory_space<vmem>> -> memref<80xi32, #tpu.memory_space<vmem>>
        %dma_wait3A_23 = arith.constant 0 : i32
        %dma_wait3A_24 = arith.constant 0 : i32
        %dma_wait3A_25 = tpu.memref_slice %arg8[%dma_wait3A_23, %dma_wait3A_24] : memref<10000x128xf32, #tpu.memory_space<vmem_shared>> -> memref<10000x128xf32, #tpu.memory_space<vmem_shared>>
        tpu.wait_indirect_dma semaphore(%run_scoped3A_15 : memref<!tpu.dma_semaphore, #tpu.memory_space<semaphore_mem>>) src(%arg7 : memref<80x128xf32, #tpu.memory_space<vmem>>) dst(%dma_wait3A_25 : memref<10000x128xf32, #tpu.memory_space<vmem_shared>>)
        tpu.yield
      }) : () -> ()
    }
    %scan3A_8 = arith.constant 125 : i32
    %barrier3A_9 = arith.constant 0 : index
    tpu.barrier barrier_id(%barrier3A_9)
    %mul3A_10 = arith.constant 632 : i32
    %mul3A_11 = arith.muli %arg1, %mul3A_10 : i32
    %min3A_12 = arith.constant 9368 : i32
    %min3A_13 = arith.minsi %mul3A_11, %min3A_12 : i32
    "tpu.region"() ({
      %run_scoped3A_14 = tpu.sem_alloc : memref<!tpu.dma_semaphore, #tpu.memory_space<semaphore_mem>>
      %dma_start3A = arith.constant 0 : i32
      %dma_start3A_15 = arith.constant 0 : i32
      %dma_start3A_16 = tpu.memref_slice %arg5[%arg0, %dma_start3A, %dma_start3A_15] : memref<2x10000x128xf32, #tpu.memory_space<hbm>> -> memref<1x10000x128xf32, #tpu.memory_space<hbm>>
      %dma_start3A_17 = tpu.memref_squeeze %dma_start3A_16 : memref<1x10000x128xf32, #tpu.memory_space<hbm>> -> memref<10000x128xf32, #tpu.memory_space<hbm>>
      %dma_start3A_18 = arith.constant 0 : i32
      %dma_start3A_19 = tpu.memref_slice %dma_start3A_17[%min3A_13, %dma_start3A_18] : memref<10000x128xf32, #tpu.memory_space<hbm>> -> memref<632x128xf32, #tpu.memory_space<hbm>>
      %dma_start3A_20 = arith.constant 0 : i32
      %dma_start3A_21 = tpu.memref_slice %arg8[%min3A_13, %dma_start3A_20] : memref<10000x128xf32, #tpu.memory_space<vmem_shared>> -> memref<632x128xf32, #tpu.memory_space<vmem_shared>>
      tpu.enqueue_dma source(%dma_start3A_21 : memref<632x128xf32, #tpu.memory_space<vmem_shared>>) target(%dma_start3A_19 : memref<632x128xf32, #tpu.memory_space<hbm>>) target_semaphore(%run_scoped3A_14 : memref<!tpu.dma_semaphore, #tpu.memory_space<semaphore_mem>>)
      %dma_wait3A = arith.constant 0 : i32
      %dma_wait3A_22 = arith.constant 0 : i32
      %dma_wait3A_23 = tpu.memref_slice %arg5[%arg0, %dma_wait3A, %dma_wait3A_22] : memref<2x10000x128xf32, #tpu.memory_space<hbm>> -> memref<1x10000x128xf32, #tpu.memory_space<hbm>>
      %dma_wait3A_24 = tpu.memref_squeeze %dma_wait3A_23 : memref<1x10000x128xf32, #tpu.memory_space<hbm>> -> memref<10000x128xf32, #tpu.memory_space<hbm>>
      %dma_wait3A_25 = arith.constant 0 : i32
      %dma_wait3A_26 = tpu.memref_slice %dma_wait3A_24[%min3A_13, %dma_wait3A_25] : memref<10000x128xf32, #tpu.memory_space<hbm>> -> memref<632x128xf32, #tpu.memory_space<hbm>>
      %dma_wait3A_27 = arith.constant 0 : i32
      %dma_wait3A_28 = tpu.memref_slice %arg8[%min3A_13, %dma_wait3A_27] : memref<10000x128xf32, #tpu.memory_space<vmem_shared>> -> memref<632x128xf32, #tpu.memory_space<vmem_shared>>
      tpu.wait_dma2 semaphore(%run_scoped3A_14 : memref<!tpu.dma_semaphore, #tpu.memory_space<semaphore_mem>>) src(%dma_wait3A_28 : memref<632x128xf32, #tpu.memory_space<vmem_shared>>) dst(%dma_wait3A_26 : memref<632x128xf32, #tpu.memory_space<hbm>>)
      tpu.yield
    }) : () -> ()
    return
  }
}

#map = affine_map<(d0, d1) -> (0, 0)>
#map1 = affine_map<(d0, d1) -> (0, 0, 0, 0)>
#map2 = affine_map<(d0, d1) -> (0, 0, 0)>
module attributes {stable_mosaic.version = 14 : i64} {
  func.func @_agg_body(%arg0: i32, %arg1: i32, %arg2: memref<10000x128xf32, #tpu.memory_space<hbm>>, %arg3: memref<32x10000xi32, #tpu.memory_space<hbm>>, %arg4: memref<2x32x125x80xi32, #tpu.memory_space<hbm>>, %arg5: memref<632x128xf32, #tpu.memory_space<hbm>>, %arg6: memref<2x10000x128xf32, #tpu.memory_space<hbm>>, %arg7: memref<10000xi32, #tpu.memory_space<vmem>>, %arg8: memref<125x80xi32, #tpu.memory_space<vmem>>, %arg9: memref<2x80x128xf32, #tpu.memory_space<vmem>>, %arg10: memref<!tpu.dma_semaphore, #tpu.memory_space<semaphore_mem>>, %arg11: memref<!tpu.dma_semaphore, #tpu.memory_space<semaphore_mem>>, %arg12: memref<!tpu.dma_semaphore, #tpu.memory_space<semaphore_mem>>, %arg13: memref<!tpu.dma_semaphore, #tpu.memory_space<semaphore_mem>>, %arg14: memref<10000x128xf32, #tpu.memory_space<vmem_shared>>) attributes {dimension_semantics = [#tpu.dimension_semantics<core_parallel>, #tpu.dimension_semantics<subcore_parallel>], iteration_bounds = array<i64: 2, 16>, scalar_prefetch = 0 : i64, scratch_operands = 8 : i64, tpu.core_type = #tpu.core_type<sc_vector_subcore>, window_params = [{transform_indices = #map}, {transform_indices = #map}, {transform_indices = #map1}, {transform_indices = #map}, {transform_indices = #map2}]} {
    %mul3A = arith.constant 16 : i32
    %mul3A_0 = arith.muli %arg0, %mul3A : i32
    %add3A = arith.addi %mul3A_0, %arg1 : i32
    %mul3A_1 = arith.constant 632 : i32
    %mul3A_2 = arith.muli %arg1, %mul3A_1 : i32
    %min3A = arith.constant 9368 : i32
    %min3A_3 = arith.minsi %mul3A_2, %min3A : i32
    "tpu.region"() ({
      %run_scoped3A_56 = tpu.sem_alloc : memref<!tpu.dma_semaphore, #tpu.memory_space<semaphore_mem>>
      %dma_start3A_57 = arith.constant 0 : i32
      %dma_start3A_58 = tpu.memref_slice %arg14[%min3A_3, %dma_start3A_57] : memref<10000x128xf32, #tpu.memory_space<vmem_shared>> -> memref<632x128xf32, #tpu.memory_space<vmem_shared>>
      tpu.enqueue_dma source(%arg5 : memref<632x128xf32, #tpu.memory_space<hbm>>) target(%dma_start3A_58 : memref<632x128xf32, #tpu.memory_space<vmem_shared>>) target_semaphore(%run_scoped3A_56 : memref<!tpu.dma_semaphore, #tpu.memory_space<semaphore_mem>>)
      %dma_wait3A_59 = arith.constant 0 : i32
      %dma_wait3A_60 = tpu.memref_slice %arg14[%min3A_3, %dma_wait3A_59] : memref<10000x128xf32, #tpu.memory_space<vmem_shared>> -> memref<632x128xf32, #tpu.memory_space<vmem_shared>>
      tpu.wait_dma2 semaphore(%run_scoped3A_56 : memref<!tpu.dma_semaphore, #tpu.memory_space<semaphore_mem>>) src(%arg5 : memref<632x128xf32, #tpu.memory_space<hbm>>) dst(%dma_wait3A_60 : memref<632x128xf32, #tpu.memory_space<vmem_shared>>)
      tpu.yield
    }) : () -> ()
    "tpu.region"() ({
      %run_scoped3A_56 = tpu.sem_alloc : memref<!tpu.dma_semaphore, #tpu.memory_space<semaphore_mem>>
      %dma_start3A_57 = arith.constant 0 : i32
      %dma_start3A_58 = tpu.memref_slice %arg3[%add3A, %dma_start3A_57] : memref<32x10000xi32, #tpu.memory_space<hbm>> -> memref<1x10000xi32, #tpu.memory_space<hbm>>
      %dma_start3A_59 = tpu.memref_squeeze %dma_start3A_58 : memref<1x10000xi32, #tpu.memory_space<hbm>> -> memref<10000xi32, #tpu.memory_space<hbm>>
      %dma_start3A_60 = arith.constant 0 : i32
      %dma_start3A_61 = tpu.memref_slice %arg3[%add3A, %dma_start3A_60] : memref<32x10000xi32, #tpu.memory_space<hbm>> -> memref<1x10000xi32, #tpu.memory_space<hbm>>
      %dma_start3A_62 = tpu.memref_squeeze %dma_start3A_61 : memref<1x10000xi32, #tpu.memory_space<hbm>> -> memref<10000xi32, #tpu.memory_space<hbm>>
      tpu.enqueue_dma source(%dma_start3A_62 : memref<10000xi32, #tpu.memory_space<hbm>>) target(%arg7 : memref<10000xi32, #tpu.memory_space<vmem>>) target_semaphore(%run_scoped3A_56 : memref<!tpu.dma_semaphore, #tpu.memory_space<semaphore_mem>>)
      %dma_wait3A_63 = arith.constant 0 : i32
      %dma_wait3A_64 = tpu.memref_slice %arg3[%add3A, %dma_wait3A_63] : memref<32x10000xi32, #tpu.memory_space<hbm>> -> memref<1x10000xi32, #tpu.memory_space<hbm>>
      %dma_wait3A_65 = tpu.memref_squeeze %dma_wait3A_64 : memref<1x10000xi32, #tpu.memory_space<hbm>> -> memref<10000xi32, #tpu.memory_space<hbm>>
      %dma_wait3A_66 = arith.constant 0 : i32
      %dma_wait3A_67 = tpu.memref_slice %arg3[%add3A, %dma_wait3A_66] : memref<32x10000xi32, #tpu.memory_space<hbm>> -> memref<1x10000xi32, #tpu.memory_space<hbm>>
      %dma_wait3A_68 = tpu.memref_squeeze %dma_wait3A_67 : memref<1x10000xi32, #tpu.memory_space<hbm>> -> memref<10000xi32, #tpu.memory_space<hbm>>
      tpu.wait_dma2 semaphore(%run_scoped3A_56 : memref<!tpu.dma_semaphore, #tpu.memory_space<semaphore_mem>>) src(%dma_wait3A_68 : memref<10000xi32, #tpu.memory_space<hbm>>) dst(%arg7 : memref<10000xi32, #tpu.memory_space<vmem>>)
      tpu.yield
    }) : () -> ()
    %run_scoped3A = arith.constant 1 : i32
    "tpu.region"() ({
      %run_scoped3A_56 = tpu.sem_alloc : memref<!tpu.dma_semaphore, #tpu.memory_space<semaphore_mem>>
      %dma_start3A_57 = arith.constant 0 : i32
      %dma_start3A_58 = arith.constant 0 : i32
      %dma_start3A_59 = arith.constant 0 : i32
      %dma_start3A_60 = tpu.memref_slice %arg4[%run_scoped3A, %dma_start3A_57, %dma_start3A_58, %dma_start3A_59] : memref<2x32x125x80xi32, #tpu.memory_space<hbm>> -> memref<1x32x125x80xi32, #tpu.memory_space<hbm>>
      %dma_start3A_61 = tpu.memref_squeeze %dma_start3A_60 : memref<1x32x125x80xi32, #tpu.memory_space<hbm>> -> memref<32x125x80xi32, #tpu.memory_space<hbm>>
      %dma_start3A_62 = arith.constant 0 : i32
      %dma_start3A_63 = arith.constant 0 : i32
      %dma_start3A_64 = tpu.memref_slice %dma_start3A_61[%add3A, %dma_start3A_62, %dma_start3A_63] : memref<32x125x80xi32, #tpu.memory_space<hbm>> -> memref<1x125x80xi32, #tpu.memory_space<hbm>>
      %dma_start3A_65 = tpu.memref_squeeze %dma_start3A_64 : memref<1x125x80xi32, #tpu.memory_space<hbm>> -> memref<125x80xi32, #tpu.memory_space<hbm>>
      %dma_start3A_66 = arith.constant 0 : i32
      %dma_start3A_67 = arith.constant 0 : i32
      %dma_start3A_68 = arith.constant 0 : i32
      %dma_start3A_69 = tpu.memref_slice %arg4[%run_scoped3A, %dma_start3A_66, %dma_start3A_67, %dma_start3A_68] : memref<2x32x125x80xi32, #tpu.memory_space<hbm>> -> memref<1x32x125x80xi32, #tpu.memory_space<hbm>>
      %dma_start3A_70 = tpu.memref_squeeze %dma_start3A_69 : memref<1x32x125x80xi32, #tpu.memory_space<hbm>> -> memref<32x125x80xi32, #tpu.memory_space<hbm>>
      %dma_start3A_71 = arith.constant 0 : i32
      %dma_start3A_72 = arith.constant 0 : i32
      %dma_start3A_73 = tpu.memref_slice %dma_start3A_70[%add3A, %dma_start3A_71, %dma_start3A_72] : memref<32x125x80xi32, #tpu.memory_space<hbm>> -> memref<1x125x80xi32, #tpu.memory_space<hbm>>
      %dma_start3A_74 = tpu.memref_squeeze %dma_start3A_73 : memref<1x125x80xi32, #tpu.memory_space<hbm>> -> memref<125x80xi32, #tpu.memory_space<hbm>>
      tpu.enqueue_dma source(%dma_start3A_74 : memref<125x80xi32, #tpu.memory_space<hbm>>) target(%arg8 : memref<125x80xi32, #tpu.memory_space<vmem>>) target_semaphore(%run_scoped3A_56 : memref<!tpu.dma_semaphore, #tpu.memory_space<semaphore_mem>>)
      %dma_wait3A_75 = arith.constant 0 : i32
      %dma_wait3A_76 = arith.constant 0 : i32
      %dma_wait3A_77 = arith.constant 0 : i32
      %dma_wait3A_78 = tpu.memref_slice %arg4[%run_scoped3A, %dma_wait3A_75, %dma_wait3A_76, %dma_wait3A_77] : memref<2x32x125x80xi32, #tpu.memory_space<hbm>> -> memref<1x32x125x80xi32, #tpu.memory_space<hbm>>
      %dma_wait3A_79 = tpu.memref_squeeze %dma_wait3A_78 : memref<1x32x125x80xi32, #tpu.memory_space<hbm>> -> memref<32x125x80xi32, #tpu.memory_space<hbm>>
      %dma_wait3A_80 = arith.constant 0 : i32
      %dma_wait3A_81 = arith.constant 0 : i32
      %dma_wait3A_82 = tpu.memref_slice %dma_wait3A_79[%add3A, %dma_wait3A_80, %dma_wait3A_81] : memref<32x125x80xi32, #tpu.memory_space<hbm>> -> memref<1x125x80xi32, #tpu.memory_space<hbm>>
      %dma_wait3A_83 = tpu.memref_squeeze %dma_wait3A_82 : memref<1x125x80xi32, #tpu.memory_space<hbm>> -> memref<125x80xi32, #tpu.memory_space<hbm>>
      %dma_wait3A_84 = arith.constant 0 : i32
      %dma_wait3A_85 = arith.constant 0 : i32
      %dma_wait3A_86 = arith.constant 0 : i32
      %dma_wait3A_87 = tpu.memref_slice %arg4[%run_scoped3A, %dma_wait3A_84, %dma_wait3A_85, %dma_wait3A_86] : memref<2x32x125x80xi32, #tpu.memory_space<hbm>> -> memref<1x32x125x80xi32, #tpu.memory_space<hbm>>
      %dma_wait3A_88 = tpu.memref_squeeze %dma_wait3A_87 : memref<1x32x125x80xi32, #tpu.memory_space<hbm>> -> memref<32x125x80xi32, #tpu.memory_space<hbm>>
      %dma_wait3A_89 = arith.constant 0 : i32
      %dma_wait3A_90 = arith.constant 0 : i32
      %dma_wait3A_91 = tpu.memref_slice %dma_wait3A_88[%add3A, %dma_wait3A_89, %dma_wait3A_90] : memref<32x125x80xi32, #tpu.memory_space<hbm>> -> memref<1x125x80xi32, #tpu.memory_space<hbm>>
      %dma_wait3A_92 = tpu.memref_squeeze %dma_wait3A_91 : memref<1x125x80xi32, #tpu.memory_space<hbm>> -> memref<125x80xi32, #tpu.memory_space<hbm>>
      tpu.wait_dma2 semaphore(%run_scoped3A_56 : memref<!tpu.dma_semaphore, #tpu.memory_space<semaphore_mem>>) src(%dma_wait3A_92 : memref<125x80xi32, #tpu.memory_space<hbm>>) dst(%arg8 : memref<125x80xi32, #tpu.memory_space<vmem>>)
      tpu.yield
    }) : () -> ()
    %barrier3A = arith.constant 0 : index
    tpu.barrier barrier_id(%barrier3A)
    %dma_start3A = arith.constant 0 : i32
    %dma_start3A_4 = arith.constant 0 : i32
    %dma_start3A_5 = arith.constant 0 : i32
    %dma_start3A_6 = tpu.memref_slice %arg9[%dma_start3A, %dma_start3A_4, %dma_start3A_5] : memref<2x80x128xf32, #tpu.memory_space<vmem>> -> memref<1x80x128xf32, #tpu.memory_space<vmem>>
    %dma_start3A_7 = tpu.memref_squeeze %dma_start3A_6 : memref<1x80x128xf32, #tpu.memory_space<vmem>> -> memref<80x128xf32, #tpu.memory_space<vmem>>
    %dma_start3A_8 = arith.constant 0 : i32
    %dma_start3A_9 = tpu.memref_slice %arg7[%dma_start3A_8] : memref<10000xi32, #tpu.memory_space<vmem>> -> memref<80xi32, #tpu.memory_space<vmem>>
    %dma_start3A_10 = arith.constant 0 : i32
    %dma_start3A_11 = arith.constant 0 : i32
    %dma_start3A_12 = tpu.memref_slice %arg2[%dma_start3A_10, %dma_start3A_11] : memref<10000x128xf32, #tpu.memory_space<hbm>> -> memref<10000x128xf32, #tpu.memory_space<hbm>>
    tpu.enqueue_indirect_dma source(%dma_start3A_12 : memref<10000x128xf32, #tpu.memory_space<hbm>>) target(%dma_start3A_7 : memref<80x128xf32, #tpu.memory_space<vmem>>) offsets(%dma_start3A_9 : memref<80xi32, #tpu.memory_space<vmem>>) semaphore(%arg10 : memref<!tpu.dma_semaphore, #tpu.memory_space<semaphore_mem>>)
    %scan3A = arith.constant 0 : i32
    %scan3A_13 = arith.constant 0 : i32
    %scan3A_14 = arith.constant 62 : i32
    %scan3A_15 = arith.addi %scan3A_13, %scan3A_14 : i32
    %scan3A_16 = arith.constant 1 : i32
    scf.for %scan3A_56 = %scan3A_13 to %scan3A_15 step %scan3A_16  : i32 {
      %mul3A_57 = arith.constant 2 : i32
      %mul3A_58 = arith.muli %mul3A_57, %scan3A_56 : i32
      %add3A_59 = arith.constant 1 : i32
      %add3A_60 = arith.addi %mul3A_58, %add3A_59 : i32
      %mul3A_61 = arith.constant 80 : i32
      %mul3A_62 = arith.muli %add3A_60, %mul3A_61 : i32
      %dma_start3A_63 = arith.constant 1 : i32
      %dma_start3A_64 = arith.constant 0 : i32
      %dma_start3A_65 = arith.constant 0 : i32
      %dma_start3A_66 = tpu.memref_slice %arg9[%dma_start3A_63, %dma_start3A_64, %dma_start3A_65] : memref<2x80x128xf32, #tpu.memory_space<vmem>> -> memref<1x80x128xf32, #tpu.memory_space<vmem>>
      %dma_start3A_67 = tpu.memref_squeeze %dma_start3A_66 : memref<1x80x128xf32, #tpu.memory_space<vmem>> -> memref<80x128xf32, #tpu.memory_space<vmem>>
      %dma_start3A_68 = tpu.memref_slice %arg7[%mul3A_62] : memref<10000xi32, #tpu.memory_space<vmem>> -> memref<80xi32, #tpu.memory_space<vmem>>
      %dma_start3A_69 = arith.constant 0 : i32
      %dma_start3A_70 = arith.constant 0 : i32
      %dma_start3A_71 = tpu.memref_slice %arg2[%dma_start3A_69, %dma_start3A_70] : memref<10000x128xf32, #tpu.memory_space<hbm>> -> memref<10000x128xf32, #tpu.memory_space<hbm>>
      tpu.enqueue_indirect_dma source(%dma_start3A_71 : memref<10000x128xf32, #tpu.memory_space<hbm>>) target(%dma_start3A_67 : memref<80x128xf32, #tpu.memory_space<vmem>>) offsets(%dma_start3A_68 : memref<80xi32, #tpu.memory_space<vmem>>) semaphore(%arg11 : memref<!tpu.dma_semaphore, #tpu.memory_space<semaphore_mem>>)
      %mul3A_72 = arith.constant 80 : i32
      %mul3A_73 = arith.muli %mul3A_58, %mul3A_72 : i32
      %dma_wait3A_74 = arith.constant 0 : i32
      %dma_wait3A_75 = arith.constant 0 : i32
      %dma_wait3A_76 = arith.constant 0 : i32
      %dma_wait3A_77 = tpu.memref_slice %arg9[%dma_wait3A_74, %dma_wait3A_75, %dma_wait3A_76] : memref<2x80x128xf32, #tpu.memory_space<vmem>> -> memref<1x80x128xf32, #tpu.memory_space<vmem>>
      %dma_wait3A_78 = tpu.memref_squeeze %dma_wait3A_77 : memref<1x80x128xf32, #tpu.memory_space<vmem>> -> memref<80x128xf32, #tpu.memory_space<vmem>>
      %dma_wait3A_79 = tpu.memref_slice %arg7[%mul3A_73] : memref<10000xi32, #tpu.memory_space<vmem>> -> memref<80xi32, #tpu.memory_space<vmem>>
      %dma_wait3A_80 = arith.constant 0 : i32
      %dma_wait3A_81 = arith.constant 0 : i32
      %dma_wait3A_82 = tpu.memref_slice %arg2[%dma_wait3A_80, %dma_wait3A_81] : memref<10000x128xf32, #tpu.memory_space<hbm>> -> memref<10000x128xf32, #tpu.memory_space<hbm>>
      tpu.wait_indirect_dma semaphore(%arg10 : memref<!tpu.dma_semaphore, #tpu.memory_space<semaphore_mem>>) src(%dma_wait3A_82 : memref<10000x128xf32, #tpu.memory_space<hbm>>) dst(%dma_wait3A_78 : memref<80x128xf32, #tpu.memory_space<vmem>>)
      %dma_start3A_83 = arith.constant 0 : i32
      %dma_start3A_84 = arith.constant 0 : i32
      %dma_start3A_85 = arith.constant 0 : i32
      %dma_start3A_86 = tpu.memref_slice %arg9[%dma_start3A_83, %dma_start3A_84, %dma_start3A_85] : memref<2x80x128xf32, #tpu.memory_space<vmem>> -> memref<1x80x128xf32, #tpu.memory_space<vmem>>
      %dma_start3A_87 = tpu.memref_squeeze %dma_start3A_86 : memref<1x80x128xf32, #tpu.memory_space<vmem>> -> memref<80x128xf32, #tpu.memory_space<vmem>>
      %dma_start3A_88 = arith.constant 0 : i32
      %dma_start3A_89 = tpu.memref_slice %arg8[%mul3A_58, %dma_start3A_88] : memref<125x80xi32, #tpu.memory_space<vmem>> -> memref<1x80xi32, #tpu.memory_space<vmem>>
      %dma_start3A_90 = tpu.memref_squeeze %dma_start3A_89 : memref<1x80xi32, #tpu.memory_space<vmem>> -> memref<80xi32, #tpu.memory_space<vmem>>
      %dma_start3A_91 = arith.constant 0 : i32
      %dma_start3A_92 = arith.constant 0 : i32
      %dma_start3A_93 = tpu.memref_slice %arg14[%dma_start3A_91, %dma_start3A_92] : memref<10000x128xf32, #tpu.memory_space<vmem_shared>> -> memref<10000x128xf32, #tpu.memory_space<vmem_shared>>
      tpu.enqueue_indirect_dma source(%dma_start3A_87 : memref<80x128xf32, #tpu.memory_space<vmem>>) target(%dma_start3A_93 : memref<10000x128xf32, #tpu.memory_space<vmem_shared>>) offsets(%dma_start3A_90 : memref<80xi32, #tpu.memory_space<vmem>>) semaphore(%arg12 : memref<!tpu.dma_semaphore, #tpu.memory_space<semaphore_mem>>) {add = true}
      %dma_wait3A_94 = arith.constant 0 : i32
      %dma_wait3A_95 = arith.constant 0 : i32
      %dma_wait3A_96 = arith.constant 0 : i32
      %dma_wait3A_97 = tpu.memref_slice %arg9[%dma_wait3A_94, %dma_wait3A_95, %dma_wait3A_96] : memref<2x80x128xf32, #tpu.memory_space<vmem>> -> memref<1x80x128xf32, #tpu.memory_space<vmem>>
      %dma_wait3A_98 = tpu.memref_squeeze %dma_wait3A_97 : memref<1x80x128xf32, #tpu.memory_space<vmem>> -> memref<80x128xf32, #tpu.memory_space<vmem>>
      %dma_wait3A_99 = arith.constant 0 : i32
      %dma_wait3A_100 = tpu.memref_slice %arg8[%mul3A_58, %dma_wait3A_99] : memref<125x80xi32, #tpu.memory_space<vmem>> -> memref<1x80xi32, #tpu.memory_space<vmem>>
      %dma_wait3A_101 = tpu.memref_squeeze %dma_wait3A_100 : memref<1x80xi32, #tpu.memory_space<vmem>> -> memref<80xi32, #tpu.memory_space<vmem>>
      %dma_wait3A_102 = arith.constant 0 : i32
      %dma_wait3A_103 = arith.constant 0 : i32
      %dma_wait3A_104 = tpu.memref_slice %arg14[%dma_wait3A_102, %dma_wait3A_103] : memref<10000x128xf32, #tpu.memory_space<vmem_shared>> -> memref<10000x128xf32, #tpu.memory_space<vmem_shared>>
      tpu.wait_indirect_dma semaphore(%arg12 : memref<!tpu.dma_semaphore, #tpu.memory_space<semaphore_mem>>) src(%dma_wait3A_98 : memref<80x128xf32, #tpu.memory_space<vmem>>) dst(%dma_wait3A_104 : memref<10000x128xf32, #tpu.memory_space<vmem_shared>>)
      %add3A_105 = arith.constant 2 : i32
      %add3A_106 = arith.addi %mul3A_58, %add3A_105 : i32
      %mul3A_107 = arith.constant 80 : i32
      %mul3A_108 = arith.muli %add3A_106, %mul3A_107 : i32
      %dma_start3A_109 = arith.constant 0 : i32
      %dma_start3A_110 = arith.constant 0 : i32
      %dma_start3A_111 = arith.constant 0 : i32
      %dma_start3A_112 = tpu.memref_slice %arg9[%dma_start3A_109, %dma_start3A_110, %dma_start3A_111] : memref<2x80x128xf32, #tpu.memory_space<vmem>> -> memref<1x80x128xf32, #tpu.memory_space<vmem>>
      %dma_start3A_113 = tpu.memref_squeeze %dma_start3A_112 : memref<1x80x128xf32, #tpu.memory_space<vmem>> -> memref<80x128xf32, #tpu.memory_space<vmem>>
      %dma_start3A_114 = tpu.memref_slice %arg7[%mul3A_108] : memref<10000xi32, #tpu.memory_space<vmem>> -> memref<80xi32, #tpu.memory_space<vmem>>
      %dma_start3A_115 = arith.constant 0 : i32
      %dma_start3A_116 = arith.constant 0 : i32
      %dma_start3A_117 = tpu.memref_slice %arg2[%dma_start3A_115, %dma_start3A_116] : memref<10000x128xf32, #tpu.memory_space<hbm>> -> memref<10000x128xf32, #tpu.memory_space<hbm>>
      tpu.enqueue_indirect_dma source(%dma_start3A_117 : memref<10000x128xf32, #tpu.memory_space<hbm>>) target(%dma_start3A_113 : memref<80x128xf32, #tpu.memory_space<vmem>>) offsets(%dma_start3A_114 : memref<80xi32, #tpu.memory_space<vmem>>) semaphore(%arg10 : memref<!tpu.dma_semaphore, #tpu.memory_space<semaphore_mem>>)
      %add3A_118 = arith.constant 1 : i32
      %add3A_119 = arith.addi %mul3A_58, %add3A_118 : i32
      %mul3A_120 = arith.constant 80 : i32
      %mul3A_121 = arith.muli %add3A_119, %mul3A_120 : i32
      %dma_wait3A_122 = arith.constant 1 : i32
      %dma_wait3A_123 = arith.constant 0 : i32
      %dma_wait3A_124 = arith.constant 0 : i32
      %dma_wait3A_125 = tpu.memref_slice %arg9[%dma_wait3A_122, %dma_wait3A_123, %dma_wait3A_124] : memref<2x80x128xf32, #tpu.memory_space<vmem>> -> memref<1x80x128xf32, #tpu.memory_space<vmem>>
      %dma_wait3A_126 = tpu.memref_squeeze %dma_wait3A_125 : memref<1x80x128xf32, #tpu.memory_space<vmem>> -> memref<80x128xf32, #tpu.memory_space<vmem>>
      %dma_wait3A_127 = tpu.memref_slice %arg7[%mul3A_121] : memref<10000xi32, #tpu.memory_space<vmem>> -> memref<80xi32, #tpu.memory_space<vmem>>
      %dma_wait3A_128 = arith.constant 0 : i32
      %dma_wait3A_129 = arith.constant 0 : i32
      %dma_wait3A_130 = tpu.memref_slice %arg2[%dma_wait3A_128, %dma_wait3A_129] : memref<10000x128xf32, #tpu.memory_space<hbm>> -> memref<10000x128xf32, #tpu.memory_space<hbm>>
      tpu.wait_indirect_dma semaphore(%arg11 : memref<!tpu.dma_semaphore, #tpu.memory_space<semaphore_mem>>) src(%dma_wait3A_130 : memref<10000x128xf32, #tpu.memory_space<hbm>>) dst(%dma_wait3A_126 : memref<80x128xf32, #tpu.memory_space<vmem>>)
      %add3A_131 = arith.constant 1 : i32
      %add3A_132 = arith.addi %mul3A_58, %add3A_131 : i32
      %dma_start3A_133 = arith.constant 1 : i32
      %dma_start3A_134 = arith.constant 0 : i32
      %dma_start3A_135 = arith.constant 0 : i32
      %dma_start3A_136 = tpu.memref_slice %arg9[%dma_start3A_133, %dma_start3A_134, %dma_start3A_135] : memref<2x80x128xf32, #tpu.memory_space<vmem>> -> memref<1x80x128xf32, #tpu.memory_space<vmem>>
      %dma_start3A_137 = tpu.memref_squeeze %dma_start3A_136 : memref<1x80x128xf32, #tpu.memory_space<vmem>> -> memref<80x128xf32, #tpu.memory_space<vmem>>
      %dma_start3A_138 = arith.constant 0 : i32
      %dma_start3A_139 = tpu.memref_slice %arg8[%add3A_132, %dma_start3A_138] : memref<125x80xi32, #tpu.memory_space<vmem>> -> memref<1x80xi32, #tpu.memory_space<vmem>>
      %dma_start3A_140 = tpu.memref_squeeze %dma_start3A_139 : memref<1x80xi32, #tpu.memory_space<vmem>> -> memref<80xi32, #tpu.memory_space<vmem>>
      %dma_start3A_141 = arith.constant 0 : i32
      %dma_start3A_142 = arith.constant 0 : i32
      %dma_start3A_143 = tpu.memref_slice %arg14[%dma_start3A_141, %dma_start3A_142] : memref<10000x128xf32, #tpu.memory_space<vmem_shared>> -> memref<10000x128xf32, #tpu.memory_space<vmem_shared>>
      tpu.enqueue_indirect_dma source(%dma_start3A_137 : memref<80x128xf32, #tpu.memory_space<vmem>>) target(%dma_start3A_143 : memref<10000x128xf32, #tpu.memory_space<vmem_shared>>) offsets(%dma_start3A_140 : memref<80xi32, #tpu.memory_space<vmem>>) semaphore(%arg13 : memref<!tpu.dma_semaphore, #tpu.memory_space<semaphore_mem>>) {add = true}
      %dma_wait3A_144 = arith.constant 1 : i32
      %dma_wait3A_145 = arith.constant 0 : i32
      %dma_wait3A_146 = arith.constant 0 : i32
      %dma_wait3A_147 = tpu.memref_slice %arg9[%dma_wait3A_144, %dma_wait3A_145, %dma_wait3A_146] : memref<2x80x128xf32, #tpu.memory_space<vmem>> -> memref<1x80x128xf32, #tpu.memory_space<vmem>>
      %dma_wait3A_148 = tpu.memref_squeeze %dma_wait3A_147 : memref<1x80x128xf32, #tpu.memory_space<vmem>> -> memref<80x128xf32, #tpu.memory_space<vmem>>
      %dma_wait3A_149 = arith.constant 0 : i32
      %dma_wait3A_150 = tpu.memref_slice %arg8[%add3A_132, %dma_wait3A_149] : memref<125x80xi32, #tpu.memory_space<vmem>> -> memref<1x80xi32, #tpu.memory_space<vmem>>
      %dma_wait3A_151 = tpu.memref_squeeze %dma_wait3A_150 : memref<1x80xi32, #tpu.memory_space<vmem>> -> memref<80xi32, #tpu.memory_space<vmem>>
      %dma_wait3A_152 = arith.constant 0 : i32
      %dma_wait3A_153 = arith.constant 0 : i32
      %dma_wait3A_154 = tpu.memref_slice %arg14[%dma_wait3A_152, %dma_wait3A_153] : memref<10000x128xf32, #tpu.memory_space<vmem_shared>> -> memref<10000x128xf32, #tpu.memory_space<vmem_shared>>
      tpu.wait_indirect_dma semaphore(%arg13 : memref<!tpu.dma_semaphore, #tpu.memory_space<semaphore_mem>>) src(%dma_wait3A_148 : memref<80x128xf32, #tpu.memory_space<vmem>>) dst(%dma_wait3A_154 : memref<10000x128xf32, #tpu.memory_space<vmem_shared>>)
    }
    %scan3A_17 = arith.constant 62 : i32
    %dma_wait3A = arith.constant 0 : i32
    %dma_wait3A_18 = arith.constant 0 : i32
    %dma_wait3A_19 = arith.constant 0 : i32
    %dma_wait3A_20 = tpu.memref_slice %arg9[%dma_wait3A, %dma_wait3A_18, %dma_wait3A_19] : memref<2x80x128xf32, #tpu.memory_space<vmem>> -> memref<1x80x128xf32, #tpu.memory_space<vmem>>
    %dma_wait3A_21 = tpu.memref_squeeze %dma_wait3A_20 : memref<1x80x128xf32, #tpu.memory_space<vmem>> -> memref<80x128xf32, #tpu.memory_space<vmem>>
    %dma_wait3A_22 = arith.constant 9920 : i32
    %dma_wait3A_23 = tpu.memref_slice %arg7[%dma_wait3A_22] : memref<10000xi32, #tpu.memory_space<vmem>> -> memref<80xi32, #tpu.memory_space<vmem>>
    %dma_wait3A_24 = arith.constant 0 : i32
    %dma_wait3A_25 = arith.constant 0 : i32
    %dma_wait3A_26 = tpu.memref_slice %arg2[%dma_wait3A_24, %dma_wait3A_25] : memref<10000x128xf32, #tpu.memory_space<hbm>> -> memref<10000x128xf32, #tpu.memory_space<hbm>>
    tpu.wait_indirect_dma semaphore(%arg10 : memref<!tpu.dma_semaphore, #tpu.memory_space<semaphore_mem>>) src(%dma_wait3A_26 : memref<10000x128xf32, #tpu.memory_space<hbm>>) dst(%dma_wait3A_21 : memref<80x128xf32, #tpu.memory_space<vmem>>)
    %dma_start3A_27 = arith.constant 0 : i32
    %dma_start3A_28 = arith.constant 124 : i32
    %dma_start3A_29 = arith.constant 0 : i32
    %dma_start3A_30 = arith.constant 0 : i32
    %dma_start3A_31 = tpu.memref_slice %arg9[%dma_start3A_27, %dma_start3A_29, %dma_start3A_30] : memref<2x80x128xf32, #tpu.memory_space<vmem>> -> memref<1x80x128xf32, #tpu.memory_space<vmem>>
    %dma_start3A_32 = tpu.memref_squeeze %dma_start3A_31 : memref<1x80x128xf32, #tpu.memory_space<vmem>> -> memref<80x128xf32, #tpu.memory_space<vmem>>
    %dma_start3A_33 = arith.constant 0 : i32
    %dma_start3A_34 = tpu.memref_slice %arg8[%dma_start3A_28, %dma_start3A_33] : memref<125x80xi32, #tpu.memory_space<vmem>> -> memref<1x80xi32, #tpu.memory_space<vmem>>
    %dma_start3A_35 = tpu.memref_squeeze %dma_start3A_34 : memref<1x80xi32, #tpu.memory_space<vmem>> -> memref<80xi32, #tpu.memory_space<vmem>>
    %dma_start3A_36 = arith.constant 0 : i32
    %dma_start3A_37 = arith.constant 0 : i32
    %dma_start3A_38 = tpu.memref_slice %arg14[%dma_start3A_36, %dma_start3A_37] : memref<10000x128xf32, #tpu.memory_space<vmem_shared>> -> memref<10000x128xf32, #tpu.memory_space<vmem_shared>>
    tpu.enqueue_indirect_dma source(%dma_start3A_32 : memref<80x128xf32, #tpu.memory_space<vmem>>) target(%dma_start3A_38 : memref<10000x128xf32, #tpu.memory_space<vmem_shared>>) offsets(%dma_start3A_35 : memref<80xi32, #tpu.memory_space<vmem>>) semaphore(%arg12 : memref<!tpu.dma_semaphore, #tpu.memory_space<semaphore_mem>>) {add = true}
    %dma_wait3A_39 = arith.constant 0 : i32
    %dma_wait3A_40 = arith.constant 124 : i32
    %dma_wait3A_41 = arith.constant 0 : i32
    %dma_wait3A_42 = arith.constant 0 : i32
    %dma_wait3A_43 = tpu.memref_slice %arg9[%dma_wait3A_39, %dma_wait3A_41, %dma_wait3A_42] : memref<2x80x128xf32, #tpu.memory_space<vmem>> -> memref<1x80x128xf32, #tpu.memory_space<vmem>>
    %dma_wait3A_44 = tpu.memref_squeeze %dma_wait3A_43 : memref<1x80x128xf32, #tpu.memory_space<vmem>> -> memref<80x128xf32, #tpu.memory_space<vmem>>
    %dma_wait3A_45 = arith.constant 0 : i32
    %dma_wait3A_46 = tpu.memref_slice %arg8[%dma_wait3A_40, %dma_wait3A_45] : memref<125x80xi32, #tpu.memory_space<vmem>> -> memref<1x80xi32, #tpu.memory_space<vmem>>
    %dma_wait3A_47 = tpu.memref_squeeze %dma_wait3A_46 : memref<1x80xi32, #tpu.memory_space<vmem>> -> memref<80xi32, #tpu.memory_space<vmem>>
    %dma_wait3A_48 = arith.constant 0 : i32
    %dma_wait3A_49 = arith.constant 0 : i32
    %dma_wait3A_50 = tpu.memref_slice %arg14[%dma_wait3A_48, %dma_wait3A_49] : memref<10000x128xf32, #tpu.memory_space<vmem_shared>> -> memref<10000x128xf32, #tpu.memory_space<vmem_shared>>
    tpu.wait_indirect_dma semaphore(%arg12 : memref<!tpu.dma_semaphore, #tpu.memory_space<semaphore_mem>>) src(%dma_wait3A_44 : memref<80x128xf32, #tpu.memory_space<vmem>>) dst(%dma_wait3A_50 : memref<10000x128xf32, #tpu.memory_space<vmem_shared>>)
    %barrier3A_51 = arith.constant 0 : index
    tpu.barrier barrier_id(%barrier3A_51)
    %mul3A_52 = arith.constant 632 : i32
    %mul3A_53 = arith.muli %arg1, %mul3A_52 : i32
    %min3A_54 = arith.constant 9368 : i32
    %min3A_55 = arith.minsi %mul3A_53, %min3A_54 : i32
    "tpu.region"() ({
      %run_scoped3A_56 = tpu.sem_alloc : memref<!tpu.dma_semaphore, #tpu.memory_space<semaphore_mem>>
      %dma_start3A_57 = arith.constant 0 : i32
      %dma_start3A_58 = arith.constant 0 : i32
      %dma_start3A_59 = tpu.memref_slice %arg6[%arg0, %dma_start3A_57, %dma_start3A_58] : memref<2x10000x128xf32, #tpu.memory_space<hbm>> -> memref<1x10000x128xf32, #tpu.memory_space<hbm>>
      %dma_start3A_60 = tpu.memref_squeeze %dma_start3A_59 : memref<1x10000x128xf32, #tpu.memory_space<hbm>> -> memref<10000x128xf32, #tpu.memory_space<hbm>>
      %dma_start3A_61 = arith.constant 0 : i32
      %dma_start3A_62 = tpu.memref_slice %dma_start3A_60[%min3A_55, %dma_start3A_61] : memref<10000x128xf32, #tpu.memory_space<hbm>> -> memref<632x128xf32, #tpu.memory_space<hbm>>
      %dma_start3A_63 = arith.constant 0 : i32
      %dma_start3A_64 = tpu.memref_slice %arg14[%min3A_55, %dma_start3A_63] : memref<10000x128xf32, #tpu.memory_space<vmem_shared>> -> memref<632x128xf32, #tpu.memory_space<vmem_shared>>
      tpu.enqueue_dma source(%dma_start3A_64 : memref<632x128xf32, #tpu.memory_space<vmem_shared>>) target(%dma_start3A_62 : memref<632x128xf32, #tpu.memory_space<hbm>>) target_semaphore(%run_scoped3A_56 : memref<!tpu.dma_semaphore, #tpu.memory_space<semaphore_mem>>)
      %dma_wait3A_65 = arith.constant 0 : i32
      %dma_wait3A_66 = arith.constant 0 : i32
      %dma_wait3A_67 = tpu.memref_slice %arg6[%arg0, %dma_wait3A_65, %dma_wait3A_66] : memref<2x10000x128xf32, #tpu.memory_space<hbm>> -> memref<1x10000x128xf32, #tpu.memory_space<hbm>>
      %dma_wait3A_68 = tpu.memref_squeeze %dma_wait3A_67 : memref<1x10000x128xf32, #tpu.memory_space<hbm>> -> memref<10000x128xf32, #tpu.memory_space<hbm>>
      %dma_wait3A_69 = arith.constant 0 : i32
      %dma_wait3A_70 = tpu.memref_slice %dma_wait3A_68[%min3A_55, %dma_wait3A_69] : memref<10000x128xf32, #tpu.memory_space<hbm>> -> memref<632x128xf32, #tpu.memory_space<hbm>>
      %dma_wait3A_71 = arith.constant 0 : i32
      %dma_wait3A_72 = tpu.memref_slice %arg14[%min3A_55, %dma_wait3A_71] : memref<10000x128xf32, #tpu.memory_space<vmem_shared>> -> memref<632x128xf32, #tpu.memory_space<vmem_shared>>
      tpu.wait_dma2 semaphore(%run_scoped3A_56 : memref<!tpu.dma_semaphore, #tpu.memory_space<semaphore_mem>>) src(%dma_wait3A_72 : memref<632x128xf32, #tpu.memory_space<vmem_shared>>) dst(%dma_wait3A_70 : memref<632x128xf32, #tpu.memory_space<hbm>>)
      tpu.yield
    }) : () -> ()
    return
  }
}

module attributes {stable_mosaic.version = 14 : i64} {
  func.func @_conv1_body(%arg0: i32, %arg1: memref<2000x128xf32, #tpu.memory_space<vmem>>, %arg2: memref<128x128xf32, #tpu.memory_space<vmem>>, %arg3: memref<2x2000x128xf32, #tpu.memory_space<vmem>>, %arg4: memref<2000x128xf32, #tpu.memory_space<vmem>>, %arg5: memref<2000x8xf32, #tpu.memory_space<vmem>>) attributes {dimension_semantics = [#tpu.dimension_semantics<arbitrary>], iteration_bounds = array<i64: 5>, scalar_prefetch = 0 : i64, scratch_operands = 0 : i64, tpu.core_type = #tpu.core_type<tc>, window_params = [{transform_indices = @transform_0, window_bounds = array<i64: 2000, 128>}, {pipeline_mode = #tpu.pipeline_mode<synchronous>, transform_indices = @transform_1, window_bounds = array<i64: 128, 128>}, {transform_indices = @transform_2, window_bounds = array<i64: 2, 2000, 128>}, {transform_indices = @transform_3, window_bounds = array<i64: 2000, 128>}, {transform_indices = @transform_4, window_bounds = array<i64: 2000, 8>}]} {
    %get3A = arith.constant 0 : index
    %get3A_0 = arith.constant 0 : index
    %get3A_1 = arith.constant 0 : index
    %get3A_2 = vector.load %arg3[%get3A, %get3A_0, %get3A_1] : memref<2x2000x128xf32, #tpu.memory_space<vmem>>, vector<1x2000x1xf32>
    %get3A_3 = vector.shape_cast %get3A_2 : vector<1x2000x1xf32> to vector<2000x1xf32>
    %get3A_4 = arith.constant 1 : index
    %get3A_5 = arith.constant 0 : index
    %get3A_6 = arith.constant 0 : index
    %get3A_7 = vector.load %arg3[%get3A_4, %get3A_5, %get3A_6] : memref<2x2000x128xf32, #tpu.memory_space<vmem>>, vector<1x2000x1xf32>
    %get3A_8 = vector.shape_cast %get3A_7 : vector<1x2000x1xf32> to vector<2000x1xf32>
    %add3A = arith.addf %get3A_3, %get3A_8 : vector<2000x1xf32>
    %add3A_9 = arith.constant 1.000000e+00 : f32
    %add3A_10 = vector.broadcast %add3A_9 : f32 to vector<2000x1xf32>
    %add3A_11 = arith.addf %add3A, %add3A_10 : vector<2000x1xf32>
    %rsqrt3A = math.rsqrt %add3A_11 : vector<2000x1xf32>
    %get3A_12 = arith.constant 0 : index
    %get3A_13 = arith.constant 0 : index
    %get3A_14 = vector.load %arg1[%get3A_12, %get3A_13] : memref<2000x128xf32, #tpu.memory_space<vmem>>, vector<2000x128xf32>
    %get3A_15 = arith.constant 0 : index
    %get3A_16 = arith.constant 0 : index
    %get3A_17 = vector.load %arg2[%get3A_15, %get3A_16] : memref<128x128xf32, #tpu.memory_space<vmem>>, vector<128x128xf32>
    %dot_general3A = arith.constant dense<0.000000e+00> : vector<2000x128xf32>
    %dot_general3A_18 = tpu.matmul %get3A_14, %get3A_17, %dot_general3A {dimension_numbers = #tpu.dot_dimension_numbers<[1], [0], [0], [1], [0, 0, 1, 1], [], []>, transpose_lhs_hint = false} : vector<2000x128xf32>, vector<128x128xf32>, vector<2000x128xf32> -> vector<2000x128xf32>
    %mul3A = vector.broadcast %rsqrt3A : vector<2000x1xf32> to vector<2000x128xf32>
    %mul3A_19 = arith.mulf %dot_general3A_18, %mul3A : vector<2000x128xf32>
    %swap3A = arith.constant 0 : index
    %swap3A_20 = arith.constant 0 : index
    %swap3A_21 = vector.load %arg4[%swap3A, %swap3A_20] : memref<2000x128xf32, #tpu.memory_space<vmem>>, vector<2000x128xf32>
    tpu.vector_store %arg4[%swap3A, %swap3A_20], %mul3A_19 {strides = array<i32>} : memref<2000x128xf32, #tpu.memory_space<vmem>>, vector<2000x128xf32>,
    %broadcast_in_dim3A = vector.shape_cast %rsqrt3A : vector<2000x1xf32> to vector<2000x1xf32>
    %broadcast_in_dim3A_22 = vector.broadcast %broadcast_in_dim3A : vector<2000x1xf32> to vector<2000x8xf32>
    %swap3A_23 = arith.constant 0 : index
    %swap3A_24 = arith.constant 0 : index
    %swap3A_25 = vector.load %arg5[%swap3A_23, %swap3A_24] : memref<2000x8xf32, #tpu.memory_space<vmem>>, vector<2000x8xf32>
    tpu.vector_store %arg5[%swap3A_23, %swap3A_24], %broadcast_in_dim3A_22 {strides = array<i32>} : memref<2000x8xf32, #tpu.memory_space<vmem>>, vector<2000x8xf32>,
    return
  }
  func.func @transform_0(%arg0: i32) -> (i32, i32) {
    %c0_i32 = arith.constant 0 : i32
    %c0_i32_0 = arith.constant 0 : i32
    return %arg0, %c0_i32 : i32, i32
  }
  func.func @transform_1(%arg0: i32) -> (i32, i32) {
    %c0_i32 = arith.constant 0 : i32
    %c0_i32_0 = arith.constant 0 : i32
    %c0_i32_1 = arith.constant 0 : i32
    return %c0_i32, %c0_i32_0 : i32, i32
  }
  func.func @transform_2(%arg0: i32) -> (i32, i32, i32) {
    %c0_i32 = arith.constant 0 : i32
    %c0_i32_0 = arith.constant 0 : i32
    %c0_i32_1 = arith.constant 0 : i32
    return %c0_i32, %arg0, %c0_i32_0 : i32, i32, i32
  }
  func.func @transform_3(%arg0: i32) -> (i32, i32) {
    %c0_i32 = arith.constant 0 : i32
    %c0_i32_0 = arith.constant 0 : i32
    return %arg0, %c0_i32 : i32, i32
  }
  func.func @transform_4(%arg0: i32) -> (i32, i32) {
    %c0_i32 = arith.constant 0 : i32
    %c0_i32_0 = arith.constant 0 : i32
    return %arg0, %c0_i32 : i32, i32
  }
}

module attributes {stable_mosaic.version = 14 : i64} {
  func.func @_conv2_body(%arg0: i32, %arg1: memref<2x2000x128xf32, #tpu.memory_space<vmem>>, %arg2: memref<2000x128xf32, #tpu.memory_space<vmem>>, %arg3: memref<2000x8xf32, #tpu.memory_space<vmem>>, %arg4: memref<1x128xf32, #tpu.memory_space<vmem>>, %arg5: memref<128x128xf32, #tpu.memory_space<vmem>>, %arg6: memref<2000x128xf32, #tpu.memory_space<vmem>>) attributes {dimension_semantics = [#tpu.dimension_semantics<arbitrary>], iteration_bounds = array<i64: 5>, scalar_prefetch = 0 : i64, scratch_operands = 0 : i64, tpu.core_type = #tpu.core_type<tc>, window_params = [{transform_indices = @transform_0, window_bounds = array<i64: 2, 2000, 128>}, {transform_indices = @transform_1, window_bounds = array<i64: 2000, 128>}, {transform_indices = @transform_2, window_bounds = array<i64: 2000, 8>}, {pipeline_mode = #tpu.pipeline_mode<synchronous>, transform_indices = @transform_3, window_bounds = array<i64: 1, 128>}, {pipeline_mode = #tpu.pipeline_mode<synchronous>, transform_indices = @transform_4, window_bounds = array<i64: 128, 128>}, {transform_indices = @transform_5, window_bounds = array<i64: 2000, 128>}]} {
    %get3A = arith.constant 0 : index
    %get3A_0 = arith.constant 0 : index
    %get3A_1 = vector.load %arg3[%get3A, %get3A_0] : memref<2000x8xf32, #tpu.memory_space<vmem>>, vector<2000x1xf32>
    %get3A_2 = arith.constant 0 : index
    %get3A_3 = arith.constant 0 : index
    %get3A_4 = arith.constant 0 : index
    %get3A_5 = vector.load %arg1[%get3A_2, %get3A_3, %get3A_4] : memref<2x2000x128xf32, #tpu.memory_space<vmem>>, vector<1x2000x128xf32>
    %get3A_6 = vector.shape_cast %get3A_5 : vector<1x2000x128xf32> to vector<2000x128xf32>
    %get3A_7 = arith.constant 1 : index
    %get3A_8 = arith.constant 0 : index
    %get3A_9 = arith.constant 0 : index
    %get3A_10 = vector.load %arg1[%get3A_7, %get3A_8, %get3A_9] : memref<2x2000x128xf32, #tpu.memory_space<vmem>>, vector<1x2000x128xf32>
    %get3A_11 = vector.shape_cast %get3A_10 : vector<1x2000x128xf32> to vector<2000x128xf32>
    %add3A = arith.addf %get3A_6, %get3A_11 : vector<2000x128xf32>
    %get3A_12 = arith.constant 0 : index
    %get3A_13 = arith.constant 0 : index
    %get3A_14 = vector.load %arg2[%get3A_12, %get3A_13] : memref<2000x128xf32, #tpu.memory_space<vmem>>, vector<2000x128xf32>
    %add3A_15 = arith.addf %add3A, %get3A_14 : vector<2000x128xf32>
    %mul3A = vector.broadcast %get3A_1 : vector<2000x1xf32> to vector<2000x128xf32>
    %mul3A_16 = arith.mulf %mul3A, %add3A_15 : vector<2000x128xf32>
    %get3A_17 = arith.constant 0 : index
    %get3A_18 = arith.constant 0 : index
    %get3A_19 = vector.load %arg4[%get3A_17, %get3A_18] : memref<1x128xf32, #tpu.memory_space<vmem>>, vector<1x128xf32>
    %add3A_20 = vector.broadcast %get3A_19 : vector<1x128xf32> to vector<2000x128xf32>
    %add3A_21 = arith.addf %mul3A_16, %add3A_20 : vector<2000x128xf32>
    %max3A = arith.constant 0.000000e+00 : f32
    %max3A_22 = vector.broadcast %max3A : f32 to vector<2000x128xf32>
    %max3A_23 = arith.maximumf %add3A_21, %max3A_22 : vector<2000x128xf32>
    %get3A_24 = arith.constant 0 : index
    %get3A_25 = arith.constant 0 : index
    %get3A_26 = vector.load %arg5[%get3A_24, %get3A_25] : memref<128x128xf32, #tpu.memory_space<vmem>>, vector<128x128xf32>
    %dot_general3A = arith.constant dense<0.000000e+00> : vector<2000x128xf32>
    %dot_general3A_27 = tpu.matmul %max3A_23, %get3A_26, %dot_general3A {dimension_numbers = #tpu.dot_dimension_numbers<[1], [0], [0], [1], [0, 0, 1, 1], [], []>, transpose_lhs_hint = false} : vector<2000x128xf32>, vector<128x128xf32>, vector<2000x128xf32> -> vector<2000x128xf32>
    %mul3A_28 = vector.broadcast %get3A_1 : vector<2000x1xf32> to vector<2000x128xf32>
    %mul3A_29 = arith.mulf %dot_general3A_27, %mul3A_28 : vector<2000x128xf32>
    %swap3A = arith.constant 0 : index
    %swap3A_30 = arith.constant 0 : index
    %swap3A_31 = vector.load %arg6[%swap3A, %swap3A_30] : memref<2000x128xf32, #tpu.memory_space<vmem>>, vector<2000x128xf32>
    tpu.vector_store %arg6[%swap3A, %swap3A_30], %mul3A_29 {strides = array<i32>} : memref<2000x128xf32, #tpu.memory_space<vmem>>, vector<2000x128xf32>,
    return
  }
  func.func @transform_0(%arg0: i32) -> (i32, i32, i32) {
    %c0_i32 = arith.constant 0 : i32
    %c0_i32_0 = arith.constant 0 : i32
    %c0_i32_1 = arith.constant 0 : i32
    return %c0_i32, %arg0, %c0_i32_0 : i32, i32, i32
  }
  func.func @transform_1(%arg0: i32) -> (i32, i32) {
    %c0_i32 = arith.constant 0 : i32
    %c0_i32_0 = arith.constant 0 : i32
    return %arg0, %c0_i32 : i32, i32
  }
  func.func @transform_2(%arg0: i32) -> (i32, i32) {
    %c0_i32 = arith.constant 0 : i32
    %c0_i32_0 = arith.constant 0 : i32
    return %arg0, %c0_i32 : i32, i32
  }
  func.func @transform_3(%arg0: i32) -> (i32, i32) {
    %c0_i32 = arith.constant 0 : i32
    %c0_i32_0 = arith.constant 0 : i32
    %c0_i32_1 = arith.constant 0 : i32
    return %c0_i32, %c0_i32_0 : i32, i32
  }
  func.func @transform_4(%arg0: i32) -> (i32, i32) {
    %c0_i32 = arith.constant 0 : i32
    %c0_i32_0 = arith.constant 0 : i32
    %c0_i32_1 = arith.constant 0 : i32
    return %c0_i32, %c0_i32_0 : i32, i32
  }
  func.func @transform_5(%arg0: i32) -> (i32, i32) {
    %c0_i32 = arith.constant 0 : i32
    %c0_i32_0 = arith.constant 0 : i32
    return %arg0, %c0_i32 : i32, i32
  }
}

module attributes {stable_mosaic.version = 14 : i64} {
  func.func @_pool_body(%arg0: i32, %arg1: memref<2x2000x128xf32, #tpu.memory_space<vmem>>, %arg2: memref<2000x128xf32, #tpu.memory_space<vmem>>, %arg3: memref<2000x8xf32, #tpu.memory_space<vmem>>, %arg4: memref<1x128xf32, #tpu.memory_space<vmem>>, %arg5: memref<128x1xf32, #tpu.memory_space<vmem>>, %arg6: memref<1x1xf32, #tpu.memory_space<vmem>>, %arg7: memref<2000x1xf32, #tpu.memory_space<vmem>>, %arg8: memref<256x512xf32, #tpu.memory_space<vmem>>, %arg9: memref<1x512xf32, #tpu.memory_space<vmem>>, %arg10: memref<64x512xf32, #tpu.memory_space<vmem>>, %arg11: memref<64x128xf32, #tpu.memory_space<vmem>>, %arg12: memref<64x128xf32, #tpu.memory_space<vmem>>, %arg13: memref<2000x128xf32, #tpu.memory_space<vmem>>, %arg14: memref<64x8xf32, #tpu.memory_space<vmem>>) attributes {dimension_semantics = [#tpu.dimension_semantics<arbitrary>], iteration_bounds = array<i64: 5>, scalar_prefetch = 0 : i64, scratch_operands = 4 : i64, tpu.core_type = #tpu.core_type<tc>, window_params = [{transform_indices = @transform_0, window_bounds = array<i64: 2, 2000, 128>}, {transform_indices = @transform_1, window_bounds = array<i64: 2000, 128>}, {transform_indices = @transform_2, window_bounds = array<i64: 2000, 8>}, {pipeline_mode = #tpu.pipeline_mode<synchronous>, transform_indices = @transform_3, window_bounds = array<i64: 1, 128>}, {pipeline_mode = #tpu.pipeline_mode<synchronous>, transform_indices = @transform_4, window_bounds = array<i64: 128, 1>}, {pipeline_mode = #tpu.pipeline_mode<synchronous>, transform_indices = @transform_5, window_bounds = array<i64: 1, 1>}, {transform_indices = @transform_6, window_bounds = array<i64: 2000, 1>}, {pipeline_mode = #tpu.pipeline_mode<synchronous>, transform_indices = @transform_7, window_bounds = array<i64: 256, 512>}, {pipeline_mode = #tpu.pipeline_mode<synchronous>, transform_indices = @transform_8, window_bounds = array<i64: 1, 512>}, {pipeline_mode = #tpu.pipeline_mode<synchronous>, transform_indices = @transform_9, window_bounds = array<i64: 64, 512>}]} {
    %eq3A = arith.constant 0 : i32
    %eq3A_0 = arith.cmpi eq, %arg0, %eq3A : i32
    %convert_element_type3A = arith.extui %eq3A_0 : i1 to i32
    %cond3A = arith.constant 0 : i32
    %cond3A_1 = arith.cmpi ne, %convert_element_type3A, %cond3A : i32
    scf.if %cond3A_1 {
      %broadcast_in_dim3A_103 = arith.constant 0.000000e+00 : f32
      %broadcast_in_dim3A_104 = vector.broadcast %broadcast_in_dim3A_103 : f32 to vector<64x128xf32>
      %swap3A_105 = arith.constant 0 : index
      %swap3A_106 = arith.constant 0 : index
      %swap3A_107 = vector.load %arg11[%swap3A_105, %swap3A_106] : memref<64x128xf32, #tpu.memory_space<vmem>>, vector<64x128xf32>
      tpu.vector_store %arg11[%swap3A_105, %swap3A_106], %broadcast_in_dim3A_104 {strides = array<i32>} : memref<64x128xf32, #tpu.memory_space<vmem>>, vector<64x128xf32>,
      %broadcast_in_dim3A_108 = arith.constant 0xFF800000 : f32
      %broadcast_in_dim3A_109 = vector.broadcast %broadcast_in_dim3A_108 : f32 to vector<64x128xf32>
      %swap3A_110 = arith.constant 0 : index
      %swap3A_111 = arith.constant 0 : index
      %swap3A_112 = vector.load %arg12[%swap3A_110, %swap3A_111] : memref<64x128xf32, #tpu.memory_space<vmem>>, vector<64x128xf32>
      tpu.vector_store %arg12[%swap3A_110, %swap3A_111], %broadcast_in_dim3A_109 {strides = array<i32>} : memref<64x128xf32, #tpu.memory_space<vmem>>, vector<64x128xf32>,
    } else {
    }
    %get3A = arith.constant 0 : index
    %get3A_2 = arith.constant 0 : index
    %get3A_3 = vector.load %arg3[%get3A, %get3A_2] : memref<2000x8xf32, #tpu.memory_space<vmem>>, vector<2000x1xf32>
    %get3A_4 = arith.constant 0 : index
    %get3A_5 = arith.constant 0 : index
    %get3A_6 = arith.constant 0 : index
    %get3A_7 = vector.load %arg1[%get3A_4, %get3A_5, %get3A_6] : memref<2x2000x128xf32, #tpu.memory_space<vmem>>, vector<1x2000x128xf32>
    %get3A_8 = vector.shape_cast %get3A_7 : vector<1x2000x128xf32> to vector<2000x128xf32>
    %get3A_9 = arith.constant 1 : index
    %get3A_10 = arith.constant 0 : index
    %get3A_11 = arith.constant 0 : index
    %get3A_12 = vector.load %arg1[%get3A_9, %get3A_10, %get3A_11] : memref<2x2000x128xf32, #tpu.memory_space<vmem>>, vector<1x2000x128xf32>
    %get3A_13 = vector.shape_cast %get3A_12 : vector<1x2000x128xf32> to vector<2000x128xf32>
    %add3A = arith.addf %get3A_8, %get3A_13 : vector<2000x128xf32>
    %get3A_14 = arith.constant 0 : index
    %get3A_15 = arith.constant 0 : index
    %get3A_16 = vector.load %arg2[%get3A_14, %get3A_15] : memref<2000x128xf32, #tpu.memory_space<vmem>>, vector<2000x128xf32>
    %add3A_17 = arith.addf %add3A, %get3A_16 : vector<2000x128xf32>
    %mul3A = vector.broadcast %get3A_3 : vector<2000x1xf32> to vector<2000x128xf32>
    %mul3A_18 = arith.mulf %mul3A, %add3A_17 : vector<2000x128xf32>
    %get3A_19 = arith.constant 0 : index
    %get3A_20 = arith.constant 0 : index
    %get3A_21 = vector.load %arg4[%get3A_19, %get3A_20] : memref<1x128xf32, #tpu.memory_space<vmem>>, vector<1x128xf32>
    %add3A_22 = vector.broadcast %get3A_21 : vector<1x128xf32> to vector<2000x128xf32>
    %add3A_23 = arith.addf %mul3A_18, %add3A_22 : vector<2000x128xf32>
    %max3A = arith.constant 0.000000e+00 : f32
    %max3A_24 = vector.broadcast %max3A : f32 to vector<2000x128xf32>
    %max3A_25 = arith.maximumf %add3A_23, %max3A_24 : vector<2000x128xf32>
    %get3A_26 = arith.constant 0 : index
    %get3A_27 = arith.constant 0 : index
    %get3A_28 = vector.load %arg5[%get3A_26, %get3A_27] : memref<128x1xf32, #tpu.memory_space<vmem>>, vector<128x1xf32>
    %dot_general3A = arith.constant dense<0.000000e+00> : vector<2000x1xf32>
    %dot_general3A_29 = tpu.matmul %max3A_25, %get3A_28, %dot_general3A {dimension_numbers = #tpu.dot_dimension_numbers<[1], [0], [0], [1], [0, 0, 1, 1], [], []>, transpose_lhs_hint = false} : vector<2000x128xf32>, vector<128x1xf32>, vector<2000x1xf32> -> vector<2000x1xf32>
    %get3A_30 = arith.constant 0 : index
    %get3A_31 = arith.constant 0 : index
    %get3A_32 = vector.load %arg6[%get3A_30, %get3A_31] : memref<1x1xf32, #tpu.memory_space<vmem>>, vector<1x1xf32>
    %get3A_33 = vector.extract %get3A_32[0, 0] : f32 from vector<1x1xf32>
    %add3A_34 = vector.broadcast %get3A_33 : f32 to vector<2000x1xf32>
    %add3A_35 = arith.addf %dot_general3A_29, %add3A_34 : vector<2000x1xf32>
    %logistic3A = arith.negf %add3A_35 : vector<2000x1xf32>
    %logistic3A_36 = math.exp %logistic3A : vector<2000x1xf32>
    %logistic3A_37 = arith.constant 1.000000e+00 : f32
    %logistic3A_38 = vector.broadcast %logistic3A_37 : f32 to vector<2000x1xf32>
    %logistic3A_39 = arith.addf %logistic3A_38, %logistic3A_36 : vector<2000x1xf32>
    %logistic3A_40 = arith.divf %logistic3A_38, %logistic3A_39 : vector<2000x1xf32>
    %get3A_41 = arith.constant 0 : index
    %get3A_42 = arith.constant 0 : index
    %get3A_43 = vector.load %arg7[%get3A_41, %get3A_42] : memref<2000x1xf32, #tpu.memory_space<vmem>>, vector<2000x1xf32>
    %iota3A = tpu.iota {dimensions = array<i32: 1>} : vector<1x64xi32>
    %convert_element_type3A_44 = arith.sitofp %iota3A : vector<1x64xi32> to vector<1x64xf32>
    %eq3A_45 = vector.broadcast %get3A_43 : vector<2000x1xf32> to vector<2000x64xf32>
    %eq3A_46 = vector.broadcast %convert_element_type3A_44 : vector<1x64xf32> to vector<2000x64xf32>
    %eq3A_47 = arith.cmpf oeq, %eq3A_45, %eq3A_46 : vector<2000x64xf32>
    %convert_element_type3A_48 = arith.extui %eq3A_47 : vector<2000x64xi1> to vector<2000x64xi32>
    %convert_element_type3A_49 = arith.sitofp %convert_element_type3A_48 : vector<2000x64xi32> to vector<2000x64xf32>
    %get3A_50 = arith.constant 0 : index
    %get3A_51 = arith.constant 0 : index
    %get3A_52 = vector.load %arg11[%get3A_50, %get3A_51] : memref<64x128xf32, #tpu.memory_space<vmem>>, vector<64x128xf32>
    %mul3A_53 = vector.broadcast %logistic3A_40 : vector<2000x1xf32> to vector<2000x128xf32>
    %mul3A_54 = arith.mulf %max3A_25, %mul3A_53 : vector<2000x128xf32>
    %dot_general3A_55 = arith.constant dense<0.000000e+00> : vector<64x128xf32>
    %dot_general3A_56 = tpu.matmul %convert_element_type3A_49, %mul3A_54, %dot_general3A_55 {dimension_numbers = #tpu.dot_dimension_numbers<[0], [0], [1], [1], [0, 1, 1, 1], [], []>, transpose_lhs_hint = false} : vector<2000x64xf32>, vector<2000x128xf32>, vector<64x128xf32> -> vector<64x128xf32>
    %add3A_57 = arith.addf %get3A_52, %dot_general3A_56 : vector<64x128xf32>
    %swap3A = arith.constant 0 : index
    %swap3A_58 = arith.constant 0 : index
    %swap3A_59 = vector.load %arg11[%swap3A, %swap3A_58] : memref<64x128xf32, #tpu.memory_space<vmem>>, vector<64x128xf32>
    tpu.vector_store %arg11[%swap3A, %swap3A_58], %add3A_57 {strides = array<i32>} : memref<64x128xf32, #tpu.memory_space<vmem>>, vector<64x128xf32>,
    %reduce_min3A = vector.shape_cast %get3A_43 : vector<2000x1xf32> to vector<1x2000x1xf32>
    %reduce_min3A_60 = arith.constant dense<0x7F800000> : vector<1xf32>
    %reduce_min3A_61 = vector.multi_reduction <minimumf>, %reduce_min3A, %reduce_min3A_60 [1, 2] : vector<1x2000x1xf32> to vector<1xf32>
    %reduce_min3A_62 = vector.shape_cast %reduce_min3A_61 : vector<1xf32> to vector<1x1x1xf32>
    %reduce_min3A_63 = vector.extract %reduce_min3A_62[0, 0, 0] : f32 from vector<1x1x1xf32>
    %convert_element_type3A_64 = arith.fptosi %reduce_min3A_63 : f32 to i32
    %reduce_max3A = vector.shape_cast %get3A_43 : vector<2000x1xf32> to vector<1x2000x1xf32>
    %reduce_max3A_65 = arith.constant dense<0xFF800000> : vector<1xf32>
    %reduce_max3A_66 = vector.multi_reduction <maximumf>, %reduce_max3A, %reduce_max3A_65 [1, 2] : vector<1x2000x1xf32> to vector<1xf32>
    %reduce_max3A_67 = vector.shape_cast %reduce_max3A_66 : vector<1xf32> to vector<1x1x1xf32>
    %reduce_max3A_68 = vector.extract %reduce_max3A_67[0, 0, 0] : f32 from vector<1x1x1xf32>
    %convert_element_type3A_69 = arith.fptosi %reduce_max3A_68 : f32 to i32
    %broadcast_in_dim3A = arith.constant 1.000000e+00 : f32
    %broadcast_in_dim3A_70 = vector.broadcast %broadcast_in_dim3A : f32 to vector<2000x1xf32>
    %dot_general3A_71 = arith.constant dense<0.000000e+00> : vector<64x1xf32>
    %dot_general3A_72 = tpu.matmul %convert_element_type3A_49, %broadcast_in_dim3A_70, %dot_general3A_71 {dimension_numbers = #tpu.dot_dimension_numbers<[0], [0], [1], [1], [0, 1, 1, 1], [], []>, transpose_lhs_hint = false} : vector<2000x64xf32>, vector<2000x1xf32>, vector<64x1xf32> -> vector<64x1xf32>
    %iota3A_73 = tpu.iota {dimensions = array<i32: 1>} : vector<64x64xi32>
    %iota3A_74 = tpu.iota {dimensions = array<i32: 0>} : vector<64x64xi32>
    %lt3A = arith.cmpi slt, %iota3A_73, %iota3A_74 : vector<64x64xi32>
    %convert_element_type3A_75 = arith.extui %lt3A : vector<64x64xi1> to vector<64x64xi32>
    %convert_element_type3A_76 = arith.sitofp %convert_element_type3A_75 : vector<64x64xi32> to vector<64x64xf32>
    %dot_general3A_77 = arith.constant dense<0.000000e+00> : vector<64x1xf32>
    %dot_general3A_78 = tpu.matmul %convert_element_type3A_76, %dot_general3A_72, %dot_general3A_77 {dimension_numbers = #tpu.dot_dimension_numbers<[1], [0], [0], [1], [0, 0, 1, 1], [], []>, transpose_lhs_hint = false} : vector<64x64xf32>, vector<64x1xf32>, vector<64x1xf32> -> vector<64x1xf32>
    %swap3A_79 = arith.constant 0 : index
    %swap3A_80 = arith.constant 0 : index
    %swap3A_81 = vector.load %arg13[%swap3A_79, %swap3A_80] : memref<2000x128xf32, #tpu.memory_space<vmem>>, vector<2000x128xf32>
    tpu.vector_store %arg13[%swap3A_79, %swap3A_80], %max3A_25 {strides = array<i32>} : memref<2000x128xf32, #tpu.memory_space<vmem>>, vector<2000x128xf32>,
    %swap3A_82 = arith.constant 0 : index
    %swap3A_83 = arith.constant 0 : index
    %swap3A_84 = vector.load %arg14[%swap3A_82, %swap3A_83] : memref<64x8xf32, #tpu.memory_space<vmem>>, vector<64x1xf32>
    tpu.vector_store %arg14[%swap3A_82, %swap3A_83], %dot_general3A_72 {strides = array<i32>} : memref<64x8xf32, #tpu.memory_space<vmem>>, vector<64x1xf32>,
    %swap3A_85 = arith.constant 0 : index
    %swap3A_86 = arith.constant 1 : index
    %swap3A_87 = vector.load %arg14[%swap3A_85, %swap3A_86] : memref<64x8xf32, #tpu.memory_space<vmem>>, vector<64x1xf32>
    tpu.vector_store %arg14[%swap3A_85, %swap3A_86], %dot_general3A_78 {strides = array<i32>} : memref<64x8xf32, #tpu.memory_space<vmem>>, vector<64x1xf32>,
    %add3A_88 = arith.constant 1 : i32
    %add3A_89 = arith.addi %convert_element_type3A_69, %add3A_88 : i32
    %while3A = arith.constant 0 : i32
    %while3A_90 = arith.subi %add3A_89, %convert_element_type3A_64 : i32
    %while3A_91 = arith.addi %convert_element_type3A_64, %while3A_90 : i32
    %while3A_92 = arith.constant 1 : i32
    %while3A_93 = arith.divsi %while3A_90, %while3A_92 : i32
    %while3A_94 = arith.muli %while3A_93, %while3A_92 : i32
    %while3A_95 = arith.addi %convert_element_type3A_64, %while3A_94 : i32
    %while3A_96 = arith.constant 1 : i32
    scf.for %while3A_103 = %convert_element_type3A_64 to %while3A_95 step %while3A_96  : i32 {
      %convert_element_type3A_104 = arith.sitofp %while3A_103 : i32 to f32
      %get3A_105 = arith.index_cast %while3A_103 : i32 to index
      %get3A_106 = arith.constant 0 : index
      %get3A_107 = vector.load %arg14[%get3A_105, %get3A_106] : memref<64x8xf32, #tpu.memory_space<vmem>>, vector<1x1xf32>
      %get3A_108 = vector.extract %get3A_107[0, 0] : f32 from vector<1x1xf32>
      %get3A_109 = arith.index_cast %while3A_103 : i32 to index
      %get3A_110 = arith.constant 1 : index
      %get3A_111 = vector.load %arg14[%get3A_109, %get3A_110] : memref<64x8xf32, #tpu.memory_space<vmem>>, vector<1x1xf32>
      %get3A_112 = vector.extract %get3A_111[0, 0] : f32 from vector<1x1xf32>
      %convert_element_type3A_113 = arith.fptosi %get3A_112 : f32 to i32
      %min3A = arith.constant 1488 : i32
      %min3A_114 = arith.minsi %convert_element_type3A_113, %min3A : i32
      %le3A = arith.constant 5.120000e+02 : f32
      %le3A_115 = arith.cmpf ole, %get3A_108, %le3A : f32
      %convert_element_type3A_116 = arith.extui %le3A_115 : i1 to i32
      %cond3A_117 = arith.constant 0 : i32
      %cond3A_118 = arith.cmpi ne, %convert_element_type3A_116, %cond3A_117 : i32
      scf.if %cond3A_118 {
        %get3A_123 = arith.index_cast %min3A_114 : i32 to index
        %get3A_124 = arith.constant 0 : index
        %get3A_125 = vector.load %arg7[%get3A_123, %get3A_124] : memref<2000x1xf32, #tpu.memory_space<vmem>>, vector<512x1xf32>
        %eq3A_126 = vector.broadcast %convert_element_type3A_104 : f32 to vector<512x1xf32>
        %eq3A_127 = arith.cmpf oeq, %get3A_125, %eq3A_126 : vector<512x1xf32>
        %get3A_128 = arith.index_cast %min3A_114 : i32 to index
        %get3A_129 = arith.constant 0 : index
        %get3A_130 = vector.load %arg13[%get3A_128, %get3A_129] : memref<2000x128xf32, #tpu.memory_space<vmem>>, vector<512x128xf32>
        %jit3A = arith.constant 0xFF800000 : f32
        %broadcast_in_dim3A_131 = vector.shape_cast %eq3A_127 : vector<512x1xi1> to vector<512x1xi1>
        %broadcast_in_dim3A_132 = vector.broadcast %broadcast_in_dim3A_131 : vector<512x1xi1> to vector<512x128xi1>
        %broadcast_in_dim3A_133 = vector.broadcast %jit3A : f32 to vector<512x128xf32>
        %select_n3A = arith.select %broadcast_in_dim3A_132, %get3A_130, %broadcast_in_dim3A_133 : vector<512x128xi1>, vector<512x128xf32>
        %reduce_max3A_134 = arith.constant dense<0xFF800000> : vector<128xf32>
        %reduce_max3A_135 = vector.multi_reduction <maximumf>, %select_n3A, %reduce_max3A_134 [0] : vector<512x128xf32> to vector<128xf32>
        %broadcast_in_dim3A_136 = vector.shape_cast %reduce_max3A_135 : vector<128xf32> to vector<1x128xf32>
        %get3A_137 = arith.index_cast %while3A_103 : i32 to index
        %get3A_138 = arith.constant 0 : index
        %get3A_139 = vector.load %arg12[%get3A_137, %get3A_138] : memref<64x128xf32, #tpu.memory_space<vmem>>, vector<1x128xf32>
        %max3A_140 = arith.maximumf %get3A_139, %broadcast_in_dim3A_136 : vector<1x128xf32>
        %swap3A_141 = arith.index_cast %while3A_103 : i32 to index
        %swap3A_142 = arith.constant 0 : index
        %swap3A_143 = vector.load %arg12[%swap3A_141, %swap3A_142] : memref<64x128xf32, #tpu.memory_space<vmem>>, vector<1x128xf32>
        tpu.vector_store %arg12[%swap3A_141, %swap3A_142], %max3A_140 {strides = array<i32>} : memref<64x128xf32, #tpu.memory_space<vmem>>, vector<1x128xf32>,
      } else {
      }
      %gt3A = arith.constant 5.120000e+02 : f32
      %gt3A_119 = arith.cmpf ogt, %get3A_108, %gt3A : f32
      %convert_element_type3A_120 = arith.extui %gt3A_119 : i1 to i32
      %cond3A_121 = arith.constant 0 : i32
      %cond3A_122 = arith.cmpi ne, %convert_element_type3A_120, %cond3A_121 : i32
      scf.if %cond3A_122 {
        %get3A_123 = arith.constant 0 : index
        %get3A_124 = arith.constant 0 : index
        %get3A_125 = vector.load %arg7[%get3A_123, %get3A_124] : memref<2000x1xf32, #tpu.memory_space<vmem>>, vector<2000x1xf32>
        %eq3A_126 = vector.broadcast %convert_element_type3A_104 : f32 to vector<2000x1xf32>
        %eq3A_127 = arith.cmpf oeq, %get3A_125, %eq3A_126 : vector<2000x1xf32>
        %get3A_128 = arith.constant 0 : index
        %get3A_129 = arith.constant 0 : index
        %get3A_130 = vector.load %arg13[%get3A_128, %get3A_129] : memref<2000x128xf32, #tpu.memory_space<vmem>>, vector<2000x128xf32>
        %jit3A = arith.constant 0xFF800000 : f32
        %broadcast_in_dim3A_131 = vector.shape_cast %eq3A_127 : vector<2000x1xi1> to vector<2000x1xi1>
        %broadcast_in_dim3A_132 = vector.broadcast %broadcast_in_dim3A_131 : vector<2000x1xi1> to vector<2000x128xi1>
        %broadcast_in_dim3A_133 = vector.broadcast %jit3A : f32 to vector<2000x128xf32>
        %select_n3A = arith.select %broadcast_in_dim3A_132, %get3A_130, %broadcast_in_dim3A_133 : vector<2000x128xi1>, vector<2000x128xf32>
        %reduce_max3A_134 = arith.constant dense<0xFF800000> : vector<128xf32>
        %reduce_max3A_135 = vector.multi_reduction <maximumf>, %select_n3A, %reduce_max3A_134 [0] : vector<2000x128xf32> to vector<128xf32>
        %broadcast_in_dim3A_136 = vector.shape_cast %reduce_max3A_135 : vector<128xf32> to vector<1x128xf32>
        %get3A_137 = arith.index_cast %while3A_103 : i32 to index
        %get3A_138 = arith.constant 0 : index
        %get3A_139 = vector.load %arg12[%get3A_137, %get3A_138] : memref<64x128xf32, #tpu.memory_space<vmem>>, vector<1x128xf32>
        %max3A_140 = arith.maximumf %get3A_139, %broadcast_in_dim3A_136 : vector<1x128xf32>
        %swap3A_141 = arith.index_cast %while3A_103 : i32 to index
        %swap3A_142 = arith.constant 0 : index
        %swap3A_143 = vector.load %arg12[%swap3A_141, %swap3A_142] : memref<64x128xf32, #tpu.memory_space<vmem>>, vector<1x128xf32>
        tpu.vector_store %arg12[%swap3A_141, %swap3A_142], %max3A_140 {strides = array<i32>} : memref<64x128xf32, #tpu.memory_space<vmem>>, vector<1x128xf32>,
      } else {
      }
    }
    %while3A_97 = arith.constant 1 : i32
    scf.for %while3A_103 = %while3A_95 to %while3A_91 step %while3A_97  : i32 {
      %convert_element_type3A_104 = arith.sitofp %while3A_103 : i32 to f32
      %get3A_105 = arith.index_cast %while3A_103 : i32 to index
      %get3A_106 = arith.constant 0 : index
      %get3A_107 = vector.load %arg14[%get3A_105, %get3A_106] : memref<64x8xf32, #tpu.memory_space<vmem>>, vector<1x1xf32>
      %get3A_108 = vector.extract %get3A_107[0, 0] : f32 from vector<1x1xf32>
      %get3A_109 = arith.index_cast %while3A_103 : i32 to index
      %get3A_110 = arith.constant 1 : index
      %get3A_111 = vector.load %arg14[%get3A_109, %get3A_110] : memref<64x8xf32, #tpu.memory_space<vmem>>, vector<1x1xf32>
      %get3A_112 = vector.extract %get3A_111[0, 0] : f32 from vector<1x1xf32>
      %convert_element_type3A_113 = arith.fptosi %get3A_112 : f32 to i32
      %min3A = arith.constant 1488 : i32
      %min3A_114 = arith.minsi %convert_element_type3A_113, %min3A : i32
      %le3A = arith.constant 5.120000e+02 : f32
      %le3A_115 = arith.cmpf ole, %get3A_108, %le3A : f32
      %convert_element_type3A_116 = arith.extui %le3A_115 : i1 to i32
      %cond3A_117 = arith.constant 0 : i32
      %cond3A_118 = arith.cmpi ne, %convert_element_type3A_116, %cond3A_117 : i32
      scf.if %cond3A_118 {
        %get3A_123 = arith.index_cast %min3A_114 : i32 to index
        %get3A_124 = arith.constant 0 : index
        %get3A_125 = vector.load %arg7[%get3A_123, %get3A_124] : memref<2000x1xf32, #tpu.memory_space<vmem>>, vector<512x1xf32>
        %eq3A_126 = vector.broadcast %convert_element_type3A_104 : f32 to vector<512x1xf32>
        %eq3A_127 = arith.cmpf oeq, %get3A_125, %eq3A_126 : vector<512x1xf32>
        %get3A_128 = arith.index_cast %min3A_114 : i32 to index
        %get3A_129 = arith.constant 0 : index
        %get3A_130 = vector.load %arg13[%get3A_128, %get3A_129] : memref<2000x128xf32, #tpu.memory_space<vmem>>, vector<512x128xf32>
        %jit3A = arith.constant 0xFF800000 : f32
        %broadcast_in_dim3A_131 = vector.shape_cast %eq3A_127 : vector<512x1xi1> to vector<512x1xi1>
        %broadcast_in_dim3A_132 = vector.broadcast %broadcast_in_dim3A_131 : vector<512x1xi1> to vector<512x128xi1>
        %broadcast_in_dim3A_133 = vector.broadcast %jit3A : f32 to vector<512x128xf32>
        %select_n3A = arith.select %broadcast_in_dim3A_132, %get3A_130, %broadcast_in_dim3A_133 : vector<512x128xi1>, vector<512x128xf32>
        %reduce_max3A_134 = arith.constant dense<0xFF800000> : vector<128xf32>
        %reduce_max3A_135 = vector.multi_reduction <maximumf>, %select_n3A, %reduce_max3A_134 [0] : vector<512x128xf32> to vector<128xf32>
        %broadcast_in_dim3A_136 = vector.shape_cast %reduce_max3A_135 : vector<128xf32> to vector<1x128xf32>
        %get3A_137 = arith.index_cast %while3A_103 : i32 to index
        %get3A_138 = arith.constant 0 : index
        %get3A_139 = vector.load %arg12[%get3A_137, %get3A_138] : memref<64x128xf32, #tpu.memory_space<vmem>>, vector<1x128xf32>
        %max3A_140 = arith.maximumf %get3A_139, %broadcast_in_dim3A_136 : vector<1x128xf32>
        %swap3A_141 = arith.index_cast %while3A_103 : i32 to index
        %swap3A_142 = arith.constant 0 : index
        %swap3A_143 = vector.load %arg12[%swap3A_141, %swap3A_142] : memref<64x128xf32, #tpu.memory_space<vmem>>, vector<1x128xf32>
        tpu.vector_store %arg12[%swap3A_141, %swap3A_142], %max3A_140 {strides = array<i32>} : memref<64x128xf32, #tpu.memory_space<vmem>>, vector<1x128xf32>,
      } else {
      }
      %gt3A = arith.constant 5.120000e+02 : f32
      %gt3A_119 = arith.cmpf ogt, %get3A_108, %gt3A : f32
      %convert_element_type3A_120 = arith.extui %gt3A_119 : i1 to i32
      %cond3A_121 = arith.constant 0 : i32
      %cond3A_122 = arith.cmpi ne, %convert_element_type3A_120, %cond3A_121 : i32
      scf.if %cond3A_122 {
        %get3A_123 = arith.constant 0 : index
        %get3A_124 = arith.constant 0 : index
        %get3A_125 = vector.load %arg7[%get3A_123, %get3A_124] : memref<2000x1xf32, #tpu.memory_space<vmem>>, vector<2000x1xf32>
        %eq3A_126 = vector.broadcast %convert_element_type3A_104 : f32 to vector<2000x1xf32>
        %eq3A_127 = arith.cmpf oeq, %get3A_125, %eq3A_126 : vector<2000x1xf32>
        %get3A_128 = arith.constant 0 : index
        %get3A_129 = arith.constant 0 : index
        %get3A_130 = vector.load %arg13[%get3A_128, %get3A_129] : memref<2000x128xf32, #tpu.memory_space<vmem>>, vector<2000x128xf32>
        %jit3A = arith.constant 0xFF800000 : f32
        %broadcast_in_dim3A_131 = vector.shape_cast %eq3A_127 : vector<2000x1xi1> to vector<2000x1xi1>
        %broadcast_in_dim3A_132 = vector.broadcast %broadcast_in_dim3A_131 : vector<2000x1xi1> to vector<2000x128xi1>
        %broadcast_in_dim3A_133 = vector.broadcast %jit3A : f32 to vector<2000x128xf32>
        %select_n3A = arith.select %broadcast_in_dim3A_132, %get3A_130, %broadcast_in_dim3A_133 : vector<2000x128xi1>, vector<2000x128xf32>
        %reduce_max3A_134 = arith.constant dense<0xFF800000> : vector<128xf32>
        %reduce_max3A_135 = vector.multi_reduction <maximumf>, %select_n3A, %reduce_max3A_134 [0] : vector<2000x128xf32> to vector<128xf32>
        %broadcast_in_dim3A_136 = vector.shape_cast %reduce_max3A_135 : vector<128xf32> to vector<1x128xf32>
        %get3A_137 = arith.index_cast %while3A_103 : i32 to index
        %get3A_138 = arith.constant 0 : index
        %get3A_139 = vector.load %arg12[%get3A_137, %get3A_138] : memref<64x128xf32, #tpu.memory_space<vmem>>, vector<1x128xf32>
        %max3A_140 = arith.maximumf %get3A_139, %broadcast_in_dim3A_136 : vector<1x128xf32>
        %swap3A_141 = arith.index_cast %while3A_103 : i32 to index
        %swap3A_142 = arith.constant 0 : index
        %swap3A_143 = vector.load %arg12[%swap3A_141, %swap3A_142] : memref<64x128xf32, #tpu.memory_space<vmem>>, vector<1x128xf32>
        tpu.vector_store %arg12[%swap3A_141, %swap3A_142], %max3A_140 {strides = array<i32>} : memref<64x128xf32, #tpu.memory_space<vmem>>, vector<1x128xf32>,
      } else {
      }
    }
    %eq3A_98 = arith.constant 4 : i32
    %eq3A_99 = arith.cmpi eq, %arg0, %eq3A_98 : i32
    %convert_element_type3A_100 = arith.extui %eq3A_99 : i1 to i32
    %cond3A_101 = arith.constant 0 : i32
    %cond3A_102 = arith.cmpi ne, %convert_element_type3A_100, %cond3A_101 : i32
    scf.if %cond3A_102 {
      %get3A_103 = arith.constant 0 : index
      %get3A_104 = arith.constant 0 : index
      %get3A_105 = vector.load %arg11[%get3A_103, %get3A_104] : memref<64x128xf32, #tpu.memory_space<vmem>>, vector<64x128xf32>
      %get3A_106 = arith.constant 0 : index
      %get3A_107 = arith.constant 0 : index
      %get3A_108 = vector.load %arg8[%get3A_106, %get3A_107] : memref<256x512xf32, #tpu.memory_space<vmem>>, vector<128x512xf32>
      %dot_general3A_109 = arith.constant dense<0.000000e+00> : vector<64x512xf32>
      %dot_general3A_110 = tpu.matmul %get3A_105, %get3A_108, %dot_general3A_109 {dimension_numbers = #tpu.dot_dimension_numbers<[1], [0], [0], [1], [0, 0, 1, 1], [], []>, transpose_lhs_hint = false} : vector<64x128xf32>, vector<128x512xf32>, vector<64x512xf32> -> vector<64x512xf32>
      %get3A_111 = arith.constant 0 : index
      %get3A_112 = arith.constant 0 : index
      %get3A_113 = vector.load %arg12[%get3A_111, %get3A_112] : memref<64x128xf32, #tpu.memory_space<vmem>>, vector<64x128xf32>
      %get3A_114 = arith.constant 128 : index
      %get3A_115 = arith.constant 0 : index
      %get3A_116 = vector.load %arg8[%get3A_114, %get3A_115] : memref<256x512xf32, #tpu.memory_space<vmem>>, vector<128x512xf32>
      %dot_general3A_117 = arith.constant dense<0.000000e+00> : vector<64x512xf32>
      %dot_general3A_118 = tpu.matmul %get3A_113, %get3A_116, %dot_general3A_117 {dimension_numbers = #tpu.dot_dimension_numbers<[1], [0], [0], [1], [0, 0, 1, 1], [], []>, transpose_lhs_hint = false} : vector<64x128xf32>, vector<128x512xf32>, vector<64x512xf32> -> vector<64x512xf32>
      %add3A_119 = arith.addf %dot_general3A_110, %dot_general3A_118 : vector<64x512xf32>
      %get3A_120 = arith.constant 0 : index
      %get3A_121 = arith.constant 0 : index
      %get3A_122 = vector.load %arg9[%get3A_120, %get3A_121] : memref<1x512xf32, #tpu.memory_space<vmem>>, vector<1x512xf32>
      %add3A_123 = vector.broadcast %get3A_122 : vector<1x512xf32> to vector<64x512xf32>
      %add3A_124 = arith.addf %add3A_119, %add3A_123 : vector<64x512xf32>
      %max3A_125 = arith.constant 0.000000e+00 : f32
      %max3A_126 = vector.broadcast %max3A_125 : f32 to vector<64x512xf32>
      %max3A_127 = arith.maximumf %add3A_124, %max3A_126 : vector<64x512xf32>
      %swap3A_128 = arith.constant 0 : index
      %swap3A_129 = arith.constant 0 : index
      %swap3A_130 = vector.load %arg10[%swap3A_128, %swap3A_129] : memref<64x512xf32, #tpu.memory_space<vmem>>, vector<64x512xf32>
      tpu.vector_store %arg10[%swap3A_128, %swap3A_129], %max3A_127 {strides = array<i32>} : memref<64x512xf32, #tpu.memory_space<vmem>>, vector<64x512xf32>,
    } else {
    }
    return
  }
  func.func @transform_0(%arg0: i32) -> (i32, i32, i32) {
    %c0_i32 = arith.constant 0 : i32
    %c0_i32_0 = arith.constant 0 : i32
    %c0_i32_1 = arith.constant 0 : i32
    return %c0_i32, %arg0, %c0_i32_0 : i32, i32, i32
  }
  func.func @transform_1(%arg0: i32) -> (i32, i32) {
    %c0_i32 = arith.constant 0 : i32
    %c0_i32_0 = arith.constant 0 : i32
    return %arg0, %c0_i32 : i32, i32
  }
  func.func @transform_2(%arg0: i32) -> (i32, i32) {
    %c0_i32 = arith.constant 0 : i32
    %c0_i32_0 = arith.constant 0 : i32
    return %arg0, %c0_i32 : i32, i32
  }
  func.func @transform_3(%arg0: i32) -> (i32, i32) {
    %c0_i32 = arith.constant 0 : i32
    %c0_i32_0 = arith.constant 0 : i32
    %c0_i32_1 = arith.constant 0 : i32
    return %c0_i32, %c0_i32_0 : i32, i32
  }
  func.func @transform_4(%arg0: i32) -> (i32, i32) {
    %c0_i32 = arith.constant 0 : i32
    %c0_i32_0 = arith.constant 0 : i32
    %c0_i32_1 = arith.constant 0 : i32
    return %c0_i32, %c0_i32_0 : i32, i32
  }
  func.func @transform_5(%arg0: i32) -> (i32, i32) {
    %c0_i32 = arith.constant 0 : i32
    %c0_i32_0 = arith.constant 0 : i32
    %c0_i32_1 = arith.constant 0 : i32
    return %c0_i32, %c0_i32_0 : i32, i32
  }
  func.func @transform_6(%arg0: i32) -> (i32, i32) {
    %c0_i32 = arith.constant 0 : i32
    %c0_i32_0 = arith.constant 0 : i32
    return %arg0, %c0_i32 : i32, i32
  }
  func.func @transform_7(%arg0: i32) -> (i32, i32) {
    %c0_i32 = arith.constant 0 : i32
    %c0_i32_0 = arith.constant 0 : i32
    %c0_i32_1 = arith.constant 0 : i32
    return %c0_i32, %c0_i32_0 : i32, i32
  }
  func.func @transform_8(%arg0: i32) -> (i32, i32) {
    %c0_i32 = arith.constant 0 : i32
    %c0_i32_0 = arith.constant 0 : i32
    %c0_i32_1 = arith.constant 0 : i32
    return %c0_i32, %c0_i32_0 : i32, i32
  }
  func.func @transform_9(%arg0: i32) -> (i32, i32) {
    %c0_i32 = arith.constant 0 : i32
    %c0_i32_0 = arith.constant 0 : i32
    %c0_i32_1 = arith.constant 0 : i32
    return %c0_i32, %c0_i32_0 : i32, i32
  }
}

</mosaic_0001>

<sc_bundles>
// kernel: kernel.11.cloned.1.call-start
scs
__scs_entry_jumppad:
0x0: {  	(pc) =	sbr.rel $0x88, $3  }
0x1: {  	(tag) =	ssettag $0x0;
	lr =	simm.s32 $0x1  }
0x2: {  	[smem:$0x3F96] =	sst lr;
	_ =	strace $0xD0000000  }
0x3: {  	_ = 	snop  }
0x4: {  	_ = 	snop  }
0x5: {  	_ = 	snop  }
0x6: {  	_ = 	snop  }
0x7: {  	_ = 	snop  }
__scs_overlays_trampoline_lowered:
0x8: {  	[smem:$0x3FA5] =	sst s0  }
0x9: {  	[smem:$0x3FA6] =	sst s1  }
0xa: {  	[smem:$0x3FA7] =	sst s2  }
0xb: {  	[smem:$0x3FA8] =	sst s3  }
0xc: {  	[smem:$0x3FA9] =	sst s4  }
0xd: {  	[smem:$0x3FAA] =	sst s5  }
0xe: {  	[smem:$0x3FAB] =	sst s6  }
0xf: {  	[smem:$0x3FAC] =	sst s7  }
0x10: {  	[smem:$0x3FAD] =	sst s8  }
0x11: {  	[smem:$0x3FAE] =	sst s9;
	s0 =	simm.s32 @!p0 $0x0  }
0x12: {  	s1 =	sld [smem:$0x3F94];
	s0 =	simm.s32 @p0 $0x1  }
0x13: {  	[smem:$0x3FAF] =	sst s0;
	s0 =	simm.s32 @!p1 $0x0  }
0x14: {  	s2 =	sld [smem:$0x3F93];
	s0 =	simm.s32 @p1 $0x1  }
0x15: {  	[smem:$0x3FB0] =	sst s0;
	s0 =	simm.s32 @!p2 $0x0  }
0x16: {  	s3 =	sld [smem:$0x3FDB];
	s0 =	simm.s32 @p2 $0x1  }
0x17: {  	s4 =	simm.s32 $0x1BF5;
	[smem:$0x3FB2] =	sst s0  }
0x18: {  	s0 =	sld [smem:$0x3F95];
	_ =	swait.ge [sflag:s4], $0x0  }
0x19: {  	s7 =	sld [smem:$0x3F96]  }
0x1a: {  	s8 =	sadd.s32 $0xFFFFE003, lr  }
0x1b: {  	s9 =	sadd.s32 $0xFFFFFEF7, lr;
	s5 =	simm.s32 $0xFFFFFFFF;
	p2 =	slt.u32 s8, $0xFFFFF086  }
0x1c: {  	p1 =	slt.u32 s9, $0xF7A;
	s5 =	simm.s32 @!p2 $0x0  }
0x1d: {  	s5 =	simm.s32 @p1 $0x1;
	p0 =	seq.s32 s7, s2  }
0x1e: {  	s7 =	smul.u32 @!p0 $0xF7A, s2;
	p2 =	seq.s32 @!p0 s5, $0x0  }
0x1f: {  	s9 =	smul.u32 $0xF7A, s1;
	s8 =	simm.s32 @!p0 $0x1BF5;
	p2 =	por !p2, p0  }
0x20: {  	[sflag:s8] =	ssyncset.s32 @!p0 $0xFFFFF086;
	s6 =	sadd.s32 @!p0 s3, s7;
	s7 =	simm.s32 @!p0 $0x108  }
0x21: {  	s3 =	sadd.s32 s3, s9;
	s6 =	sadd.s32 @!p0 $0x88, s6;
	s7 =	simm.s32 @p2 $0x1082  }
0x22: {  	[simem:s7], [sflag:s8] =	dma.local @!p0 [hbm:s6], $0xF7A  }
0x23: {  	s9 =	sor.u32 $0xD0000000, s2;
	s6 =	simm.s32 $0x108;
	_ =	swait.ge @!p0 [sflag:s8], $0x0  }
0x24: {  	s3 =	sadd.s32 $0x88, s3;
	s6 =	simm.s32 @!p1 $0x1082;
	[sflag:s4] =	ssyncset.s32 $0xFFFFF086  }
0x25: {  	[simem:s6], [sflag:s4] =	dma.local [hbm:s3], $0xF7A  }
0x26: {  	[smem:$0x3F96] =	sst s1;
	(tag) =	ssettag s2;
	_ =	strace s9  }
0x27: {  	s1 =	sld [smem:$0x3FA6]  }
0x28: {  	s2 =	sld [smem:$0x3FA7]  }
0x29: {  	s4 =	sld [smem:$0x3FA9]  }
0x2a: {  	p0 =	seq.s32 s5, $0x0;
	s5 =	sld [smem:$0x3FAA]  }
0x2b: {  	s6 =	sld [smem:$0x3FAB]  }
0x2c: {  	s7 =	sld [smem:$0x3FAC]  }
0x2d: {  	s3 =	simm.s32 $0x108;
	s8 =	sld [smem:$0x3FAD]  }
0x2e: {  	s3 =	simm.s32 @!p0 $0x1082;
	s9 =	sld [smem:$0x3FAE]  }
0x2f: {  	lr =	sadd.s32 s0, s3;
	s0 =	sld [smem:$0x3FA5]  }
0x30: {  	s3 =	sld [smem:$0x3FA8]  }
0x31: {  	[smem:$0x3FB1] =	sst s10  }
0x32: {  	s10 =	sld [smem:$0x3FAF];
	_ =	sdelay $0x3  }
0x33: {  	p0 =	seq.s32 s10, $0x1;
	s10 =	sld [smem:$0x3FB1];
	_ =	sdelay $0x3  }
0x34: {  	[smem:$0x3FB1] =	sst s10  }
0x35: {  	s10 =	sld [smem:$0x3FB0];
	_ =	sdelay $0x3  }
0x36: {  	p1 =	seq.s32 s10, $0x1;
	s10 =	sld [smem:$0x3FB1];
	_ =	sdelay $0x3  }
0x37: {  	[smem:$0x3FB1] =	sst s10  }
0x38: {  	s10 =	sld [smem:$0x3FB2]  }
0x39: {  	_ = 	snop;
	(pc) =	sbr.ind lr, $3  }
0x3a: {  	_ = 	snop  }
0x3b: {  	_ = 	snop  }
0x3c: {  	p2 =	seq.s32 s10, $0x1;
	s10 =	sld [smem:$0x3FB1]  }
0x3d: {  	_ =	shalt  }
0x3e: {  	_ =	shalt  }
0x3f: {  	_ =	shalt  }
0x40: {  	_ =	shalt  }
0x41: {  	_ =	shalt  }
0x42: {  	_ =	shalt  }
0x43: {  	_ =	shalt  }
0x44: {  	_ =	shalt  }
0x45: {  	_ =	shalt  }
0x46: {  	_ =	shalt  }
0x47: {  	_ =	shalt  }
0x48: {  	_ =	shalt  }
0x49: {  	_ =	shalt  }
0x4a: {  	_ =	shalt  }
0x4b: {  	_ =	shalt  }
0x4c: {  	_ =	shalt  }
0x4d: {  	_ =	shalt  }
0x4e: {  	_ =	shalt  }
0x4f: {  	_ =	shalt  }
0x50: {  	_ =	shalt  }
0x51: {  	_ =	shalt  }
0x52: {  	_ =	shalt  }
0x53: {  	_ =	shalt  }
0x54: {  	_ =	shalt  }
0x55: {  	_ =	shalt  }
0x56: {  	_ =	shalt  }
0x57: {  	_ =	shalt  }
0x58: {  	_ =	shalt  }
0x59: {  	_ =	shalt  }
0x5a: {  	_ =	shalt  }
0x5b: {  	_ =	shalt  }
0x5c: {  	_ =	shalt  }
0x5d: {  	_ =	shalt  }
0x5e: {  	_ =	shalt  }
0x5f: {  	_ =	shalt  }
0x60: {  	_ =	shalt  }
0x61: {  	_ =	shalt  }
0x62: {  	_ =	shalt  }
0x63: {  	_ =	shalt  }
0x64: {  	_ =	shalt  }
0x65: {  	_ =	shalt  }
0x66: {  	_ =	shalt  }
0x67: {  	_ =	shalt  }
0x68: {  	_ =	shalt  }
0x69: {  	_ =	shalt  }
0x6a: {  	_ =	shalt  }
0x6b: {  	_ =	shalt  }
0x6c: {  	_ =	shalt  }
0x6d: {  	_ =	shalt  }
0x6e: {  	_ =	shalt  }
0x6f: {  	_ =	shalt  }
0x70: {  	_ =	shalt  }
0x71: {  	_ =	shalt  }
0x72: {  	_ =	shalt  }
0x73: {  	_ =	shalt  }
0x74: {  	_ =	shalt  }
0x75: {  	_ =	shalt  }
0x76: {  	_ =	shalt  }
0x77: {  	_ =	shalt  }
0x78: {  	_ =	shalt  }
0x79: {  	_ =	shalt  }
0x7a: {  	_ =	shalt  }
0x7b: {  	_ =	shalt  }
0x7c: {  	_ =	shalt  }
0x7d: {  	_ =	shalt  }
0x7e: {  	_ =	shalt  }
0x7f: {  	_ =	shalt  }
0x80: {  	_ =	shalt  }
0x81: {  	_ =	shalt  }
0x82: {  	_ =	shalt  }
0x83: {  	_ =	shalt  }
0x84: {  	_ =	shalt  }
0x85: {  	_ =	shalt  }
0x86: {  	_ =	shalt  }
0x87: {  	_ =	shalt  }
.Lfunc_end0:
.L_simem_size_0:
called_computation.1_lowered:
.L_overlay_start_0:
0x88: {  	s2 =	sld [smem:$0x3FD9]  }
0x89: {  	s3 =	sld [smem:$0x3FFE];
	_ =	sdelay $0x1  }
0x8a: {  	s1 =	srdreg.scid  }
0x8b: {  	s0 =	sand.u32 $0x1, s1  }
0x8c: {  	s16 =	sshll.u32 s0, $0xA;
	s2 =	sadd.s32 s3, s2  }
0x8d: {  	s2 =	sadd.s32 s2, s16  }
0x8e: {  	[smem:$0x3FBD] =	sst s2  }
0x8f: {  	_ = 	snop  }
0x90: {  	(tm) =	ssettm $0x1  }
0x91: {  	s17 =	sld [smem:$0x3FFB];
	_ =	sdelay $0x3  }
0x92: {  	_ =	strace s17  }
0x93: {  	s2 =	sld [smem:$0x3FFC];
	_ =	sdelay $0x3  }
0x94: {  	_ =	strace s2  }
0x95: {  	s2 =	sld [smem:$0x3FFD];
	_ =	sdelay $0x3  }
0x96: {  	_ =	strace s2  }
0x97: {  	_ =	strace $0x8FFFFFFF  }
0x98: {  	s18 =	sld [smem:$0x3FDB];
	_ =	sdelay $0x1  }
0x99: {  	s19 =	simm.s32 $_scs_section_size  }
0x9a: {  	s4 =	simm.s32 $_size__tile_overlayer_lowered;
	s5 =	simm.s32 $_tile_overlayer_lowered  }
0x9b: {  	s22 =	simm.s32 $0x1BFF;
	s21 =	sshll.u32 s5, $0x1;
	s2 =	sadd.s32 s19, s18  }
0x9c: {  	s6 =	simm.s32 $0x0;
	s20 =	sshll.u32 s4, $0x1;
	s4 =	sadd.s32 s21, s2  }
0x9d: {  	[timem:s6], [sflag:s22] =	dma.local [hbm:s4], s20  }
0x9e: {  	_ =	swait.ge [sflag:s22], s20  }
0x9f: {  	s3 =	ssub.s32 $0x0, s20;
	[sflag:s22] =	ssyncset.done $0x0  }
0xa0: {  	[sflag:s22] =	ssyncadd.s32 s3;
	_ =	sdelay $0x1  }
0xa1: {  	s23 =	simm.s32 $0x1B8B  }
0xa2: {  	_ =	swait.ge [sflag:s23], $0x1  }
0xa3: {  	[sflag:s23] =	ssyncset.done $0x0  }
0xa4: {  	s25 =	simm.s32 $0x1B8E;
	s24 =	sld [smem:$0x3FFE];
	[sflag:s23] =	ssyncadd.s32 $0xFFFFFFFF  }
0xa5: {  	s26 =	simm.s32 $execute0_lowered;
	[smem:$0x3FD2] =	sst s25  }
0xa6: {  	s4 =	sshll.u32 s26, $0x1;
	_ =	strace $0x80000049;
	[dreg:$0x1] =	wrdreg $0xFFFFFFFF  }
0xa7: {  	s28 =	simm.s32 $_size_execute0_lowered;
	s2 =	sadd.s32 s2, s4;
	[dreg:$0x0] =	wrdreg $0x0  }
0xa8: {  	s4 =	sshll.u32 s28, $0x1;
	[dreg:$0x2] =	wrdreg s2  }
0xa9: {  	[dreg:$0x3] =	wrdreg s4  }
0xaa: {  	[dreg:$0x4] =	wrdreg $0xC0  }
0xab: {  	_ =	task [dreg:s6], $0x5FFFF  }
0xac: {  	[dreg:$0x1] =	wrdreg $0xFFFFFFFF  }
0xad: {  	[dreg:$0x0] =	wrdreg $0x60  }
0xae: {  	[dreg:$0x2] =	wrdreg s24  }
0xaf: {  	[dreg:$0x3] =	wrdreg $0xB7800  }
0xb0: {  	[dreg:$0x4] =	wrdreg $0x9  }
0xb1: {  	_ =	task.clear_ibuf [dreg:s6], $0x5FFFF;
	_ =	strace $0x90000049  }
0xb2: {  	s29 =	simm.s32 $0x9;
	_ =	strace $0x8000004B  }
0xb3: {  	_ =	swait.ge [sflag:s29], $0x1  }
0xb4: {  	[sflag:s29] =	ssyncadd.s32 $0xFFFFFFFF  }
0xb5: {  	_ =	strace $0x9000004B  }
0xb6: {  	_ =	sfence  }
0xb7: {  	s30 =	sld [smem:$0x0];
	_ =	sdelay $0x2  }
0xb8: {  	s31 =	sshll.u32 s1, $0xD;
	s1 =	sshrl.u32 s1, $0x2  }
0xb9: {  	s3 =	sand.u32 $0x4000, s31;
	s1 =	sadd.s32 s1, s30  }
0xba: {  	s0 =	sor.u32 s3, s0;
	s1 =	sshll.u32 s1, $0x11  }
0xbb: {  	s0 =	sor.u32 s1, s0  }
0xbc: {  	s0 =	sadd.s32 $0x8F2B, s0  }
0xbd: {  	[sflag:s0] =	ssyncadd.remote.s32 $0x1  }
0xbe: {  	_ =	sfence.sel $0xFFFF  }
0xbf: {  	[dreg:$0x0] =	wrdreg $0xFFFFFFFF;
	(pc) =	sbr.abs _section_cstart, $3  }
0xc0: {  	[dreg:$0x1] =	wrdreg $0xFFFFFFFF  }
0xc1: {  	_ =	task.clear_ibuf [dreg:s6], $0x2FFFF;
	_ =	strace $0x9FFFFFFF  }
0xc2: {  	(tm) =	ssettm $0x7FFFFFFF  }
0xc3: {  	_ =	shalt  }
tec
execute0_lowered:
.L_overlay_start_1:
0x0: {  	(tag) =	ssettag $0x1  }
0x1: {  	s0 =	srdreg.scid;
	s8 =	rddreg [dreg:$0x0]  }
0x2: {  	s2 =	rddreg [dreg:$0x1];
	s3 =	simm.s32 $0x0;
	s17 =	simm.s32 $0x8F80  }
0x3: {  	s18 =	simm.s32 $0x1;
	s19 =	simm.s32 $0x3;
	s20 =	simm.s32 $0x2  }
0x4: {  	s21 =	simm.s32 $0x4;
	s22 =	simm.s32 $0x6580;
	s6 =	sand.u32 $0x1, s0  }
0x5: {  	s0 =	stileid.u32;
	[smem:$0x7FF] =	sst s3;
	s15 =	sadd.s32 $0x12C00, s8  }
0x6: {  	s1 =	sshll.u32 s6, $0x4;
	s5 =	sshll.u32 s0, $0x7;
	s7 =	smul.u32 $0x27100, s6  }
0x7: {  	s10 =	smul.u32 $0x278, s0;
	s6 =	ssub.s32 $0x2, s6;
	s31 =	sshll.u32 s0, $0x6  }
0x8: {  	s9 =	sor.u32 s0, s1;
	s1 =	rddreg [dreg:$0x2];
	s5 =	sand.u32 $0x380, s5  }
0x9: {  	_ =	strace $0x8000004A;
	s29 =	sshrl.u32 s6, $0x1;
	s4 =	sshrl.u32 s9, $0x3  }
0xa: {  	s12 =	sadd.s32 s7, s8;
	s10 =	smin.u32 s10, $0x2498;
	s13 =	ssub.s32 s6, s29  }
0xb: {  	s6 =	sor.u32 $0x1C05, s31;
	s16 =	sshll.u32 s9, $0xB;
	s4 =	smul.u32 $0x13C00, s4  }
0xc: {  	s30 =	sshll.u32 s10, $0x7;
	s23 =	sadd.s32 $0x7D400, s12;
	s24 =	sshll.u32 s10, $0x4  }
0xd: {  	s10 =	simm.s32 $0x5;
	s12 =	simm.s32 $0x400;
	s14 =	sadd.s32 s30, s2  }
0xe: {  	s23 =	sadd.s32 s24, s23;
	s24 =	simm.s32 $0x0;
	s5 =	sor.u32 s5, s4  }
0xf: {  	s4 =	sadd.s32 $0x25400, s8;
	s9 =	sshrl.u32 s14, $0x3;
	s5 =	sshrl.u32 s5, $0x3  }
0x10: {  	s14 =	simm.s32 $0x2780;
	s11 =	sadd.s32 s5, s8;
	s5 =	sadd.s32 $0x22C00, s8  }
0x11: {  	s8 =	smax.u32 s13, $0x1;
	s13 =	sadd.s32 s16, s15;
	s15 =	simm.s32 $0x50  }
0x12: {  	s16 =	simm.s32 $0x6780;
	s7 =	sadd.s32 $0x73600, s11;
	s11 =	simm.s32 $0x80  }
.LBB2_1:
0x13: {  	[spmem:s9], [sflag:s6] =	dma.local [hbm:s5], $0x2780  }
0x14: {  	_ =	swait.ge [sflag:s10], $0x2780  }
0x15: {  	[sflag:s10] =	ssyncset.done $0x0  }
0x16: {  	[sflag:s10] =	ssyncadd.s32 $0xFFFFD880  }
0x17: {  	[tilespmem:s3], [sflag:$0x5] =	stream.strided.gather [hbm4b:s7+s11], $0x2780, s12, s11, $0x38;
	[tilespmem:$0x1F000] =	vst v63  }
0x18: {  	_ =	swait.ge [sflag:s10], $0x2780  }
0x19: {  	[sflag:s10] =	ssyncset.done $0x0  }
0x1a: {  	[sflag:s10] =	ssyncadd.s32 $0xFFFFD880  }
0x1b: {  	[tilespmem:s14], [sflag:$0x5] =	stream.linear.gather [hbm4b:s13+s3], $0x3E80, $0x38;
	[tilespmem:$0x1F000] =	vst v63  }
0x1c: {  	_ =	swait.ge [sflag:s10], $0x3E80  }
0x1d: {  	[sflag:s10] =	ssyncset.done $0x0  }
0x1e: {  	[sflag:s10] =	ssyncadd.s32 $0xFFFFC180  }
0x1f: {  	[bflag:$0x0] =	sbarrier.arrive $0xFFFF  }
0x20: {  	[tilespmem:s16], [sflag:$0x1] =	stream.indirect.gather [hbm4b:s4+s15], $0x80, s3, s15, $0xb8;
	[tilespmem:$0x1F000] =	vst v63  }
0x21: {  	s25 =	simm.s32 $0x50  }
0x22: {  	[tilespmem:s17], [sflag:$0x2] =	stream.indirect.gather [hbm4b:s4+s15], $0x80, s25, s15, $0xb8;
	[tilespmem:$0x1F000] =	vst v63  }
0x23: {  	_ =	swait.ge [sflag:s18], $0x2800  }
0x24: {  	[sflag:s18] =	ssyncset.done $0x0  }
0x25: {  	s29 =	simm.s32 $0x2780;
	[sflag:s18] =	ssyncadd.s32 $0xFFFFD800  }
0x26: {  	[spmem:s2] =	stream.indirect.scatter.add.f32 [tilespmem:s16], [sflag:$0x3], $0x80, s29, s15, $0xb8;
	[tilespmem:$0x1F000] =	vst v63  }
0x27: {  	_ =	swait.ge [sflag:s19], $0x2800  }
0x28: {  	[sflag:s19] =	ssyncset.done $0x0  }
0x29: {  	s30 =	simm.s32 $0xA0;
	[sflag:s19] =	ssyncadd.s32 $0xFFFFD800  }
0x2a: {  	[tilespmem:s16], [sflag:$0x1] =	stream.indirect.gather [hbm4b:s4+s15], $0x80, s30, s15, $0xb8;
	[tilespmem:$0x1F000] =	vst v63  }
0x2b: {  	_ =	swait.ge [sflag:s20], $0x2800  }
0x2c: {  	[sflag:s20] =	ssyncset.done $0x0  }
0x2d: {  	s31 =	simm.s32 $0x2800;
	[sflag:s20] =	ssyncadd.s32 $0xFFFFD800  }
0x2e: {  	[spmem:s2] =	stream.indirect.scatter.add.f32 [tilespmem:s17], [sflag:$0x4], $0x80, s31, s15, $0xb8;
	[tilespmem:$0x1F000] =	vst v63  }
0x2f: {  	s26 =	simm.s32 $0x400;
	_ =	swait.ge [sflag:s21], $0x2800  }
0x30: {  	s28 =	simm.s32 $0x800;
	s25 =	simm.s32 $0x140;
	[sflag:s21] =	ssyncset.done $0x0  }
.LBB2_2:
0x31: {  	p0 =	sne.s32 s28, $0xF400;
	s29 =	sadd.s32 $0xFFFFFFB0, s25;
	[sflag:s21] =	ssyncadd.s32 $0xFFFFD800  }
0x32: {  	[tilespmem:s17], [sflag:$0x2] =	stream.indirect.gather [hbm4b:s4+s15], $0x80, s29, s15, $0xb8;
	[tilespmem:$0x1F000] =	vst v63  }
0x33: {  	s29 =	smov.u32 s28;
	s28 =	sadd.s32 $0x400, s28;
	_ =	swait.ge [sflag:s18], $0x2800  }
0x34: {  	s30 =	sshra.s32 s26, $0x2;
	s26 =	smov.u32 s29;
	[sflag:s18] =	ssyncset.done $0x0  }
0x35: {  	s29 =	sadd.s32 $0x2780, s30;
	[sflag:s18] =	ssyncadd.s32 $0xFFFFD800  }
0x36: {  	[spmem:s2] =	stream.indirect.scatter.add.f32 [tilespmem:s16], [sflag:$0x3], $0x80, s29, s15, $0xb8;
	[tilespmem:$0x1F000] =	vst v63  }
0x37: {  	_ =	swait.ge [sflag:s19], $0x2800  }
0x38: {  	[sflag:s19] =	ssyncset.done $0x0  }
0x39: {  	[sflag:s19] =	ssyncadd.s32 $0xFFFFD800  }
0x3a: {  	[tilespmem:s16], [sflag:$0x1] =	stream.indirect.gather [hbm4b:s4+s15], $0x80, s25, s15, $0xb8;
	[tilespmem:$0x1F000] =	vst v63  }
0x3b: {  	_ =	swait.ge [sflag:s20], $0x2800  }
.Ltmp0:
0x3c: {  	[sflag:s20] =	ssyncset.done $0x0;
	(pc) =	sbr.rel @p0 .LBB2_2-.Ltmp0, $4  }
0x3d: {  	s29 =	sadd.s32 $0x2800, s30;
	[sflag:s20] =	ssyncadd.s32 $0xFFFFD800  }
0x3e: {  	[spmem:s2] =	stream.indirect.scatter.add.f32 [tilespmem:s17], [sflag:$0x4], $0x80, s29, s15, $0xb8;
	[tilespmem:$0x1F000] =	vst v63  }
0x3f: {  	_ =	swait.ge [sflag:s21], $0x2800  }
0x40: {  	s25 =	sadd.s32 $0xA0, s25;
	[sflag:s21] =	ssyncset.done $0x0  }
0x41: {  	s28 =	sadd.s32 $0xFFFFFFB0, s25;
	[sflag:s21] =	ssyncadd.s32 $0xFFFFD800  }
0x42: {  	[tilespmem:s17], [sflag:$0x2] =	stream.indirect.gather [hbm4b:s4+s15], $0x80, s28, s15, $0xb8;
	[tilespmem:$0x1F000] =	vst v63  }
0x43: {  	_ =	swait.ge [sflag:s18], $0x2800  }
0x44: {  	s26 =	sshra.s32 s26, $0x2;
	[sflag:s18] =	ssyncset.done $0x0  }
0x45: {  	s30 =	sadd.s32 $0x2780, s26;
	[sflag:s18] =	ssyncadd.s32 $0xFFFFD800  }
0x46: {  	[spmem:s2] =	stream.indirect.scatter.add.f32 [tilespmem:s16], [sflag:$0x3], $0x80, s30, s15, $0xb8;
	[tilespmem:$0x1F000] =	vst v63  }
0x47: {  	_ =	swait.ge [sflag:s19], $0x2800  }
0x48: {  	[sflag:s19] =	ssyncset.done $0x0  }
0x49: {  	[sflag:s19] =	ssyncadd.s32 $0xFFFFD800  }
0x4a: {  	[tilespmem:s16], [sflag:$0x1] =	stream.indirect.gather [hbm4b:s4+s15], $0x80, s25, s15, $0xb8;
	[tilespmem:$0x1F000] =	vst v63  }
0x4b: {  	_ =	swait.ge [sflag:s20], $0x2800  }
0x4c: {  	[sflag:s20] =	ssyncset.done $0x0  }
0x4d: {  	s31 =	sadd.s32 $0x2800, s26;
	[sflag:s20] =	ssyncadd.s32 $0xFFFFD800  }
0x4e: {  	[spmem:s2] =	stream.indirect.scatter.add.f32 [tilespmem:s17], [sflag:$0x4], $0x80, s31, s15, $0xb8;
	[tilespmem:$0x1F000] =	vst v63  }
0x4f: {  	_ =	swait.ge [sflag:s21], $0x2800  }
0x50: {  	[sflag:s21] =	ssyncset.done $0x0  }
0x51: {  	[sflag:s21] =	ssyncadd.s32 $0xFFFFD800  }
0x52: {  	_ =	swait.ge [sflag:s18], $0x2800  }
0x53: {  	[sflag:s18] =	ssyncset.done $0x0  }
0x54: {  	[sflag:s18] =	ssyncadd.s32 $0xFFFFD800  }
0x55: {  	[spmem:s2] =	stream.indirect.scatter.add.f32 [tilespmem:s16], [sflag:$0x3], $0x80, s22, s15, $0xb8;
	[tilespmem:$0x1F000] =	vst v63  }
0x56: {  	_ =	swait.ge [sflag:s19], $0x2800  }
0x57: {  	s24 =	sadd.s32 $0x1, s24;
	[sflag:s19] =	ssyncset.done $0x0  }
0x58: {  	p0 =	sne.s32 s24, s8;
	[sflag:s19] =	ssyncadd.s32 $0xFFFFD800  }
.Ltmp1:
0x59: {  	[bflag:$0x0] =	sbarrier.arrive $0xFFFF;
	(pc) =	sbr.rel @p0 .LBB2_1-.Ltmp1, $4  }
0x5a: {  	[hbm:s23], [sflag:s6] =	dma.local [spmem:s9], $0x2780  }
0x5b: {  	_ =	swait.ge [sflag:s10], $0x2780  }
0x5c: {  	[sflag:s10] =	ssyncset.done $0x0  }
0x5d: {  	[sflag:s10] =	ssyncadd.s32 $0xFFFFD880  }
0x5e: {  	_ =	sfence.sel $0x180000  }
0x5f: {  	[bflag:$0x0] =	sbarrier.arrive $0xFFFF  }
0x60: {  	p0 =	sne.s32 s0, $0x0;
	_ =	strace $0x9000004A  }
0x61: {  	s0 =	sadd.s32 @!p0 $0x100000, s1;
	[bflag:$0x2] =	sbarrier.arrive $0xFFFF  }
0x62: {  	[sflag:s0] =	ssyncadd.tile.s32 @!p0 $0x1;
	_ =	shalt  }
.Lfunc_end2:
_tile_overlayer_lowered:
.L_overlay_start_2:
0x63: {  	(tag) =	ssettag $0x2  }
0x64: {  	s0 =	rddreg [dreg:$0x0];
	s2 =	stileid.u32  }
0x65: {  	s1 =	rddreg [dreg:$0x1];
	p0 =	sne.s32 s2, $0x0  }
0x66: {  	s3 =	rddreg [dreg:$0x2];
	[bflag:$0x3] =	sbarrier.arrive $0xFFFF;
	s2 =	simm.s32 @!p0 $0x1C05  }
0x67: {  	[timem:s3], [sflag:s2] =	dma.local @!p0 [hbm:s0], s1  }
0x68: {  	s0 =	simm.s32 @!p0 $0x5  }
0x69: {  	_ =	swait.ge @!p0 [sflag:s0], s1  }
0x6a: {  	s1 =	ssub.s32 @!p0 $0x0, s1;
	[sflag:s0] =	ssyncset.done @!p0 $0x0  }
0x6b: {  	[sflag:s0] =	ssyncadd.s32 @!p0 s1  }
0x6c: {  	[bflag:$0x3] =	sbarrier.arrive $0xFFFF  }
0x6d: {  	_ =	shalt  }

// kernel: kernel.14.cloned.1.call-start
scs
__scs_entry_jumppad:
0x0: {  	(pc) =	sbr.rel $0x88, $3  }
0x1: {  	(tag) =	ssettag $0x0;
	lr =	simm.s32 $0x1  }
0x2: {  	[smem:$0x3F96] =	sst lr;
	_ =	strace $0xD0000000  }
0x3: {  	_ = 	snop  }
0x4: {  	_ = 	snop  }
0x5: {  	_ = 	snop  }
0x6: {  	_ = 	snop  }
0x7: {  	_ = 	snop  }
__scs_overlays_trampoline_lowered:
0x8: {  	[smem:$0x3FA5] =	sst s0  }
0x9: {  	[smem:$0x3FA6] =	sst s1  }
0xa: {  	[smem:$0x3FA7] =	sst s2  }
0xb: {  	[smem:$0x3FA8] =	sst s3  }
0xc: {  	[smem:$0x3FA9] =	sst s4  }
0xd: {  	[smem:$0x3FAA] =	sst s5  }
0xe: {  	[smem:$0x3FAB] =	sst s6  }
0xf: {  	[smem:$0x3FAC] =	sst s7  }
0x10: {  	[smem:$0x3FAD] =	sst s8  }
0x11: {  	[smem:$0x3FAE] =	sst s9;
	s0 =	simm.s32 @!p0 $0x0  }
0x12: {  	s1 =	sld [smem:$0x3F94];
	s0 =	simm.s32 @p0 $0x1  }
0x13: {  	[smem:$0x3FAF] =	sst s0;
	s0 =	simm.s32 @!p1 $0x0  }
0x14: {  	s2 =	sld [smem:$0x3F93];
	s0 =	simm.s32 @p1 $0x1  }
0x15: {  	[smem:$0x3FB0] =	sst s0;
	s0 =	simm.s32 @!p2 $0x0  }
0x16: {  	s3 =	sld [smem:$0x3FDB];
	s0 =	simm.s32 @p2 $0x1  }
0x17: {  	s4 =	simm.s32 $0x1BF5;
	[smem:$0x3FB2] =	sst s0  }
0x18: {  	s0 =	sld [smem:$0x3F95];
	_ =	swait.ge [sflag:s4], $0x0  }
0x19: {  	s7 =	sld [smem:$0x3F96]  }
0x1a: {  	s8 =	sadd.s32 $0xFFFFE003, lr  }
0x1b: {  	s9 =	sadd.s32 $0xFFFFFEF7, lr;
	s5 =	simm.s32 $0xFFFFFFFF;
	p2 =	slt.u32 s8, $0xFFFFF086  }
0x1c: {  	p1 =	slt.u32 s9, $0xF7A;
	s5 =	simm.s32 @!p2 $0x0  }
0x1d: {  	s5 =	simm.s32 @p1 $0x1;
	p0 =	seq.s32 s7, s2  }
0x1e: {  	s7 =	smul.u32 @!p0 $0xF7A, s2;
	p2 =	seq.s32 @!p0 s5, $0x0  }
0x1f: {  	s9 =	smul.u32 $0xF7A, s1;
	s8 =	simm.s32 @!p0 $0x1BF5;
	p2 =	por !p2, p0  }
0x20: {  	[sflag:s8] =	ssyncset.s32 @!p0 $0xFFFFF086;
	s6 =	sadd.s32 @!p0 s3, s7;
	s7 =	simm.s32 @!p0 $0x108  }
0x21: {  	s3 =	sadd.s32 s3, s9;
	s6 =	sadd.s32 @!p0 $0x88, s6;
	s7 =	simm.s32 @p2 $0x1082  }
0x22: {  	[simem:s7], [sflag:s8] =	dma.local @!p0 [hbm:s6], $0xF7A  }
0x23: {  	s9 =	sor.u32 $0xD0000000, s2;
	s6 =	simm.s32 $0x108;
	_ =	swait.ge @!p0 [sflag:s8], $0x0  }
0x24: {  	s3 =	sadd.s32 $0x88, s3;
	s6 =	simm.s32 @!p1 $0x1082;
	[sflag:s4] =	ssyncset.s32 $0xFFFFF086  }
0x25: {  	[simem:s6], [sflag:s4] =	dma.local [hbm:s3], $0xF7A  }
0x26: {  	[smem:$0x3F96] =	sst s1;
	(tag) =	ssettag s2;
	_ =	strace s9  }
0x27: {  	s1 =	sld [smem:$0x3FA6]  }
0x28: {  	s2 =	sld [smem:$0x3FA7]  }
0x29: {  	s4 =	sld [smem:$0x3FA9]  }
0x2a: {  	p0 =	seq.s32 s5, $0x0;
	s5 =	sld [smem:$0x3FAA]  }
0x2b: {  	s6 =	sld [smem:$0x3FAB]  }
0x2c: {  	s7 =	sld [smem:$0x3FAC]  }
0x2d: {  	s3 =	simm.s32 $0x108;
	s8 =	sld [smem:$0x3FAD]  }
0x2e: {  	s3 =	simm.s32 @!p0 $0x1082;
	s9 =	sld [smem:$0x3FAE]  }
0x2f: {  	lr =	sadd.s32 s0, s3;
	s0 =	sld [smem:$0x3FA5]  }
0x30: {  	s3 =	sld [smem:$0x3FA8]  }
0x31: {  	[smem:$0x3FB1] =	sst s10  }
0x32: {  	s10 =	sld [smem:$0x3FAF];
	_ =	sdelay $0x3  }
0x33: {  	p0 =	seq.s32 s10, $0x1;
	s10 =	sld [smem:$0x3FB1];
	_ =	sdelay $0x3  }
0x34: {  	[smem:$0x3FB1] =	sst s10  }
0x35: {  	s10 =	sld [smem:$0x3FB0];
	_ =	sdelay $0x3  }
0x36: {  	p1 =	seq.s32 s10, $0x1;
	s10 =	sld [smem:$0x3FB1];
	_ =	sdelay $0x3  }
0x37: {  	[smem:$0x3FB1] =	sst s10  }
0x38: {  	s10 =	sld [smem:$0x3FB2]  }
0x39: {  	_ = 	snop;
	(pc) =	sbr.ind lr, $3  }
0x3a: {  	_ = 	snop  }
0x3b: {  	_ = 	snop  }
0x3c: {  	p2 =	seq.s32 s10, $0x1;
	s10 =	sld [smem:$0x3FB1]  }
0x3d: {  	_ =	shalt  }
0x3e: {  	_ =	shalt  }
0x3f: {  	_ =	shalt  }
0x40: {  	_ =	shalt  }
0x41: {  	_ =	shalt  }
0x42: {  	_ =	shalt  }
0x43: {  	_ =	shalt  }
0x44: {  	_ =	shalt  }
0x45: {  	_ =	shalt  }
0x46: {  	_ =	shalt  }
0x47: {  	_ =	shalt  }
0x48: {  	_ =	shalt  }
0x49: {  	_ =	shalt  }
0x4a: {  	_ =	shalt  }
0x4b: {  	_ =	shalt  }
0x4c: {  	_ =	shalt  }
0x4d: {  	_ =	shalt  }
0x4e: {  	_ =	shalt  }
0x4f: {  	_ =	shalt  }
0x50: {  	_ =	shalt  }
0x51: {  	_ =	shalt  }
0x52: {  	_ =	shalt  }
0x53: {  	_ =	shalt  }
0x54: {  	_ =	shalt  }
0x55: {  	_ =	shalt  }
0x56: {  	_ =	shalt  }
0x57: {  	_ =	shalt  }
0x58: {  	_ =	shalt  }
0x59: {  	_ =	shalt  }
0x5a: {  	_ =	shalt  }
0x5b: {  	_ =	shalt  }
0x5c: {  	_ =	shalt  }
0x5d: {  	_ =	shalt  }
0x5e: {  	_ =	shalt  }
0x5f: {  	_ =	shalt  }
0x60: {  	_ =	shalt  }
0x61: {  	_ =	shalt  }
0x62: {  	_ =	shalt  }
0x63: {  	_ =	shalt  }
0x64: {  	_ =	shalt  }
0x65: {  	_ =	shalt  }
0x66: {  	_ =	shalt  }
0x67: {  	_ =	shalt  }
0x68: {  	_ =	shalt  }
0x69: {  	_ =	shalt  }
0x6a: {  	_ =	shalt  }
0x6b: {  	_ =	shalt  }
0x6c: {  	_ =	shalt  }
0x6d: {  	_ =	shalt  }
0x6e: {  	_ =	shalt  }
0x6f: {  	_ =	shalt  }
0x70: {  	_ =	shalt  }
0x71: {  	_ =	shalt  }
0x72: {  	_ =	shalt  }
0x73: {  	_ =	shalt  }
0x74: {  	_ =	shalt  }
0x75: {  	_ =	shalt  }
0x76: {  	_ =	shalt  }
0x77: {  	_ =	shalt  }
0x78: {  	_ =	shalt  }
0x79: {  	_ =	shalt  }
0x7a: {  	_ =	shalt  }
0x7b: {  	_ =	shalt  }
0x7c: {  	_ =	shalt  }
0x7d: {  	_ =	shalt  }
0x7e: {  	_ =	shalt  }
0x7f: {  	_ =	shalt  }
0x80: {  	_ =	shalt  }
0x81: {  	_ =	shalt  }
0x82: {  	_ =	shalt  }
0x83: {  	_ =	shalt  }
0x84: {  	_ =	shalt  }
0x85: {  	_ =	shalt  }
0x86: {  	_ =	shalt  }
0x87: {  	_ =	shalt  }
.Lfunc_end0:
.L_simem_size_0:
called_computation.2_lowered:
.L_overlay_start_0:
0x88: {  	s2 =	sld [smem:$0x3FD9]  }
0x89: {  	s3 =	sld [smem:$0x3FFE];
	_ =	sdelay $0x1  }
0x8a: {  	s1 =	srdreg.scid  }
0x8b: {  	s0 =	sand.u32 $0x1, s1  }
0x8c: {  	s16 =	sshll.u32 s0, $0xA;
	s2 =	sadd.s32 s3, s2  }
0x8d: {  	s2 =	sadd.s32 s2, s16  }
0x8e: {  	[smem:$0x3FBD] =	sst s2  }
0x8f: {  	_ = 	snop  }
0x90: {  	(tm) =	ssettm $0x1  }
0x91: {  	s17 =	sld [smem:$0x3FFB];
	_ =	sdelay $0x3  }
0x92: {  	_ =	strace s17  }
0x93: {  	s2 =	sld [smem:$0x3FFC];
	_ =	sdelay $0x3  }
0x94: {  	_ =	strace s2  }
0x95: {  	s2 =	sld [smem:$0x3FFD];
	_ =	sdelay $0x3  }
0x96: {  	_ =	strace s2  }
0x97: {  	_ =	strace $0x8FFFFFFF  }
0x98: {  	s18 =	sld [smem:$0x3FDB];
	_ =	sdelay $0x1  }
0x99: {  	s19 =	simm.s32 $_scs_section_size  }
0x9a: {  	s4 =	simm.s32 $_size__tile_overlayer_lowered;
	s5 =	simm.s32 $_tile_overlayer_lowered  }
0x9b: {  	s22 =	simm.s32 $0x1BFF;
	s21 =	sshll.u32 s5, $0x1;
	s2 =	sadd.s32 s19, s18  }
0x9c: {  	s6 =	simm.s32 $0x0;
	s20 =	sshll.u32 s4, $0x1;
	s4 =	sadd.s32 s21, s2  }
0x9d: {  	[timem:s6], [sflag:s22] =	dma.local [hbm:s4], s20  }
0x9e: {  	_ =	swait.ge [sflag:s22], s20  }
0x9f: {  	s3 =	ssub.s32 $0x0, s20;
	[sflag:s22] =	ssyncset.done $0x0  }
0xa0: {  	[sflag:s22] =	ssyncadd.s32 s3;
	_ =	sdelay $0x1  }
0xa1: {  	s23 =	simm.s32 $0x1B8B  }
0xa2: {  	_ =	swait.ge [sflag:s23], $0x1  }
0xa3: {  	[sflag:s23] =	ssyncset.done $0x0  }
0xa4: {  	s25 =	simm.s32 $0x1B8E;
	s24 =	sld [smem:$0x3FFE];
	[sflag:s23] =	ssyncadd.s32 $0xFFFFFFFF  }
0xa5: {  	s26 =	simm.s32 $execute0_lowered;
	[smem:$0x3FD2] =	sst s25  }
0xa6: {  	s4 =	sshll.u32 s26, $0x1;
	_ =	strace $0x8000004C;
	[dreg:$0x1] =	wrdreg $0xFFFFFFFF  }
0xa7: {  	s28 =	simm.s32 $_size_execute0_lowered;
	s2 =	sadd.s32 s2, s4;
	[dreg:$0x0] =	wrdreg $0x0  }
0xa8: {  	s4 =	sshll.u32 s28, $0x1;
	[dreg:$0x2] =	wrdreg s2  }
0xa9: {  	[dreg:$0x3] =	wrdreg s4  }
0xaa: {  	[dreg:$0x4] =	wrdreg $0xC0  }
0xab: {  	_ =	task [dreg:s6], $0x5FFFF  }
0xac: {  	[dreg:$0x1] =	wrdreg $0xFFFFFFFF  }
0xad: {  	[dreg:$0x0] =	wrdreg $0x60  }
0xae: {  	[dreg:$0x2] =	wrdreg s24  }
0xaf: {  	[dreg:$0x3] =	wrdreg $0xB7800  }
0xb0: {  	[dreg:$0x4] =	wrdreg $0x9  }
0xb1: {  	_ =	task.clear_ibuf [dreg:s6], $0x5FFFF;
	_ =	strace $0x9000004C  }
0xb2: {  	s29 =	simm.s32 $0x9;
	_ =	strace $0x8000004E  }
0xb3: {  	_ =	swait.ge [sflag:s29], $0x1  }
0xb4: {  	[sflag:s29] =	ssyncadd.s32 $0xFFFFFFFF  }
0xb5: {  	_ =	strace $0x9000004E  }
0xb6: {  	_ =	sfence  }
0xb7: {  	s30 =	sld [smem:$0x0];
	_ =	sdelay $0x2  }
0xb8: {  	s31 =	sshll.u32 s1, $0xD;
	s1 =	sshrl.u32 s1, $0x2  }
0xb9: {  	s3 =	sand.u32 $0x4000, s31;
	s1 =	sadd.s32 s1, s30  }
0xba: {  	s0 =	sor.u32 s3, s0;
	s1 =	sshll.u32 s1, $0x11  }
0xbb: {  	s0 =	sor.u32 s1, s0  }
0xbc: {  	s0 =	sadd.s32 $0x8F2B, s0  }
0xbd: {  	[sflag:s0] =	ssyncadd.remote.s32 $0x1  }
0xbe: {  	_ =	sfence.sel $0xFFFF  }
0xbf: {  	[dreg:$0x0] =	wrdreg $0xFFFFFFFF;
	(pc) =	sbr.abs _section_cstart, $3  }
0xc0: {  	[dreg:$0x1] =	wrdreg $0xFFFFFFFF  }
0xc1: {  	_ =	task.clear_ibuf [dreg:s6], $0x2FFFF;
	_ =	strace $0x9FFFFFFF  }
0xc2: {  	(tm) =	ssettm $0x7FFFFFFF  }
0xc3: {  	_ =	shalt  }
tec
execute0_lowered:
.L_overlay_start_1:
0x0: {  	(tag) =	ssettag $0x1  }
0x1: {  	s0 =	srdreg.scid;
	s8 =	rddreg [dreg:$0x0]  }
0x2: {  	s2 =	rddreg [dreg:$0x1];
	s3 =	simm.s32 $0x0;
	s17 =	simm.s32 $0x8F80  }
0x3: {  	s18 =	simm.s32 $0x1;
	s19 =	simm.s32 $0x3;
	s20 =	simm.s32 $0x2  }
0x4: {  	s21 =	simm.s32 $0x4;
	s22 =	simm.s32 $0x6580;
	s6 =	sand.u32 $0x1, s0  }
0x5: {  	s0 =	stileid.u32;
	[smem:$0x7FF] =	sst s3;
	s15 =	sadd.s32 $0x12C00, s8  }
0x6: {  	s1 =	sshll.u32 s6, $0x4;
	s5 =	sshll.u32 s0, $0x7;
	s7 =	smul.u32 $0x27100, s6  }
0x7: {  	s10 =	smul.u32 $0x278, s0;
	s6 =	ssub.s32 $0x2, s6;
	s31 =	sshll.u32 s0, $0x6  }
0x8: {  	s9 =	sor.u32 s0, s1;
	s1 =	rddreg [dreg:$0x2];
	s5 =	sand.u32 $0x380, s5  }
0x9: {  	_ =	strace $0x8000004D;
	s29 =	sshrl.u32 s6, $0x1;
	s4 =	sshrl.u32 s9, $0x3  }
0xa: {  	s12 =	sadd.s32 s7, s8;
	s10 =	smin.u32 s10, $0x2498;
	s13 =	ssub.s32 s6, s29  }
0xb: {  	s6 =	sor.u32 $0x1C05, s31;
	s16 =	sshll.u32 s9, $0xB;
	s4 =	smul.u32 $0x13C00, s4  }
0xc: {  	s30 =	sshll.u32 s10, $0x7;
	s23 =	sadd.s32 $0x7D400, s12;
	s24 =	sshll.u32 s10, $0x4  }
0xd: {  	s10 =	simm.s32 $0x5;
	s12 =	simm.s32 $0x400;
	s14 =	sadd.s32 s30, s2  }
0xe: {  	s23 =	sadd.s32 s24, s23;
	s24 =	simm.s32 $0x0;
	s5 =	sor.u32 s5, s4  }
0xf: {  	s4 =	sadd.s32 $0x25400, s8;
	s9 =	sshrl.u32 s14, $0x3;
	s5 =	sshrl.u32 s5, $0x3  }
0x10: {  	s14 =	simm.s32 $0x2780;
	s11 =	sadd.s32 s5, s8;
	s5 =	sadd.s32 $0x22C00, s8  }
0x11: {  	s8 =	smax.u32 s13, $0x1;
	s13 =	sadd.s32 s16, s15;
	s15 =	simm.s32 $0x50  }
0x12: {  	s16 =	simm.s32 $0x6780;
	s7 =	sadd.s32 $0x73600, s11;
	s11 =	simm.s32 $0x80  }
.LBB2_1:
0x13: {  	[spmem:s9], [sflag:s6] =	dma.local [hbm:s5], $0x2780  }
0x14: {  	_ =	swait.ge [sflag:s10], $0x2780  }
0x15: {  	[sflag:s10] =	ssyncset.done $0x0  }
0x16: {  	[sflag:s10] =	ssyncadd.s32 $0xFFFFD880  }
0x17: {  	[tilespmem:s3], [sflag:$0x5] =	stream.strided.gather [hbm4b:s7+s11], $0x2780, s12, s11, $0x38;
	[tilespmem:$0x1F000] =	vst v63  }
0x18: {  	_ =	swait.ge [sflag:s10], $0x2780  }
0x19: {  	[sflag:s10] =	ssyncset.done $0x0  }
0x1a: {  	[sflag:s10] =	ssyncadd.s32 $0xFFFFD880  }
0x1b: {  	[tilespmem:s14], [sflag:$0x5] =	stream.linear.gather [hbm4b:s13+s3], $0x3E80, $0x38;
	[tilespmem:$0x1F000] =	vst v63  }
0x1c: {  	_ =	swait.ge [sflag:s10], $0x3E80  }
0x1d: {  	[sflag:s10] =	ssyncset.done $0x0  }
0x1e: {  	[sflag:s10] =	ssyncadd.s32 $0xFFFFC180  }
0x1f: {  	[bflag:$0x0] =	sbarrier.arrive $0xFFFF  }
0x20: {  	[tilespmem:s16], [sflag:$0x1] =	stream.indirect.gather [hbm4b:s4+s15], $0x80, s3, s15, $0xb8;
	[tilespmem:$0x1F000] =	vst v63  }
0x21: {  	s25 =	simm.s32 $0x50  }
0x22: {  	[tilespmem:s17], [sflag:$0x2] =	stream.indirect.gather [hbm4b:s4+s15], $0x80, s25, s15, $0xb8;
	[tilespmem:$0x1F000] =	vst v63  }
0x23: {  	_ =	swait.ge [sflag:s18], $0x2800  }
0x24: {  	[sflag:s18] =	ssyncset.done $0x0  }
0x25: {  	s29 =	simm.s32 $0x2780;
	[sflag:s18] =	ssyncadd.s32 $0xFFFFD800  }
0x26: {  	[spmem:s2] =	stream.indirect.scatter.add.f32 [tilespmem:s16], [sflag:$0x3], $0x80, s29, s15, $0xb8;
	[tilespmem:$0x1F000] =	vst v63  }
0x27: {  	_ =	swait.ge [sflag:s19], $0x2800  }
0x28: {  	[sflag:s19] =	ssyncset.done $0x0  }
0x29: {  	s30 =	simm.s32 $0xA0;
	[sflag:s19] =	ssyncadd.s32 $0xFFFFD800  }
0x2a: {  	[tilespmem:s16], [sflag:$0x1] =	stream.indirect.gather [hbm4b:s4+s15], $0x80, s30, s15, $0xb8;
	[tilespmem:$0x1F000] =	vst v63  }
0x2b: {  	_ =	swait.ge [sflag:s20], $0x2800  }
0x2c: {  	[sflag:s20] =	ssyncset.done $0x0  }
0x2d: {  	s31 =	simm.s32 $0x2800;
	[sflag:s20] =	ssyncadd.s32 $0xFFFFD800  }
0x2e: {  	[spmem:s2] =	stream.indirect.scatter.add.f32 [tilespmem:s17], [sflag:$0x4], $0x80, s31, s15, $0xb8;
	[tilespmem:$0x1F000] =	vst v63  }
0x2f: {  	s26 =	simm.s32 $0x400;
	_ =	swait.ge [sflag:s21], $0x2800  }
0x30: {  	s28 =	simm.s32 $0x800;
	s25 =	simm.s32 $0x140;
	[sflag:s21] =	ssyncset.done $0x0  }
.LBB2_2:
0x31: {  	p0 =	sne.s32 s28, $0xF400;
	s29 =	sadd.s32 $0xFFFFFFB0, s25;
	[sflag:s21] =	ssyncadd.s32 $0xFFFFD800  }
0x32: {  	[tilespmem:s17], [sflag:$0x2] =	stream.indirect.gather [hbm4b:s4+s15], $0x80, s29, s15, $0xb8;
	[tilespmem:$0x1F000] =	vst v63  }
0x33: {  	s29 =	smov.u32 s28;
	s28 =	sadd.s32 $0x400, s28;
	_ =	swait.ge [sflag:s18], $0x2800  }
0x34: {  	s30 =	sshra.s32 s26, $0x2;
	s26 =	smov.u32 s29;
	[sflag:s18] =	ssyncset.done $0x0  }
0x35: {  	s29 =	sadd.s32 $0x2780, s30;
	[sflag:s18] =	ssyncadd.s32 $0xFFFFD800  }
0x36: {  	[spmem:s2] =	stream.indirect.scatter.add.f32 [tilespmem:s16], [sflag:$0x3], $0x80, s29, s15, $0xb8;
	[tilespmem:$0x1F000] =	vst v63  }
0x37: {  	_ =	swait.ge [sflag:s19], $0x2800  }
0x38: {  	[sflag:s19] =	ssyncset.done $0x0  }
0x39: {  	[sflag:s19] =	ssyncadd.s32 $0xFFFFD800  }
0x3a: {  	[tilespmem:s16], [sflag:$0x1] =	stream.indirect.gather [hbm4b:s4+s15], $0x80, s25, s15, $0xb8;
	[tilespmem:$0x1F000] =	vst v63  }
0x3b: {  	_ =	swait.ge [sflag:s20], $0x2800  }
.Ltmp0:
0x3c: {  	[sflag:s20] =	ssyncset.done $0x0;
	(pc) =	sbr.rel @p0 .LBB2_2-.Ltmp0, $4  }
0x3d: {  	s29 =	sadd.s32 $0x2800, s30;
	[sflag:s20] =	ssyncadd.s32 $0xFFFFD800  }
0x3e: {  	[spmem:s2] =	stream.indirect.scatter.add.f32 [tilespmem:s17], [sflag:$0x4], $0x80, s29, s15, $0xb8;
	[tilespmem:$0x1F000] =	vst v63  }
0x3f: {  	_ =	swait.ge [sflag:s21], $0x2800  }
0x40: {  	s25 =	sadd.s32 $0xA0, s25;
	[sflag:s21] =	ssyncset.done $0x0  }
0x41: {  	s28 =	sadd.s32 $0xFFFFFFB0, s25;
	[sflag:s21] =	ssyncadd.s32 $0xFFFFD800  }
0x42: {  	[tilespmem:s17], [sflag:$0x2] =	stream.indirect.gather [hbm4b:s4+s15], $0x80, s28, s15, $0xb8;
	[tilespmem:$0x1F000] =	vst v63  }
0x43: {  	_ =	swait.ge [sflag:s18], $0x2800  }
0x44: {  	s26 =	sshra.s32 s26, $0x2;
	[sflag:s18] =	ssyncset.done $0x0  }
0x45: {  	s30 =	sadd.s32 $0x2780, s26;
	[sflag:s18] =	ssyncadd.s32 $0xFFFFD800  }
0x46: {  	[spmem:s2] =	stream.indirect.scatter.add.f32 [tilespmem:s16], [sflag:$0x3], $0x80, s30, s15, $0xb8;
	[tilespmem:$0x1F000] =	vst v63  }
0x47: {  	_ =	swait.ge [sflag:s19], $0x2800  }
0x48: {  	[sflag:s19] =	ssyncset.done $0x0  }
0x49: {  	[sflag:s19] =	ssyncadd.s32 $0xFFFFD800  }
0x4a: {  	[tilespmem:s16], [sflag:$0x1] =	stream.indirect.gather [hbm4b:s4+s15], $0x80, s25, s15, $0xb8;
	[tilespmem:$0x1F000] =	vst v63  }
0x4b: {  	_ =	swait.ge [sflag:s20], $0x2800  }
0x4c: {  	[sflag:s20] =	ssyncset.done $0x0  }
0x4d: {  	s31 =	sadd.s32 $0x2800, s26;
	[sflag:s20] =	ssyncadd.s32 $0xFFFFD800  }
0x4e: {  	[spmem:s2] =	stream.indirect.scatter.add.f32 [tilespmem:s17], [sflag:$0x4], $0x80, s31, s15, $0xb8;
	[tilespmem:$0x1F000] =	vst v63  }
0x4f: {  	_ =	swait.ge [sflag:s21], $0x2800  }
0x50: {  	[sflag:s21] =	ssyncset.done $0x0  }
0x51: {  	[sflag:s21] =	ssyncadd.s32 $0xFFFFD800  }
0x52: {  	_ =	swait.ge [sflag:s18], $0x2800  }
0x53: {  	[sflag:s18] =	ssyncset.done $0x0  }
0x54: {  	[sflag:s18] =	ssyncadd.s32 $0xFFFFD800  }
0x55: {  	[spmem:s2] =	stream.indirect.scatter.add.f32 [tilespmem:s16], [sflag:$0x3], $0x80, s22, s15, $0xb8;
	[tilespmem:$0x1F000] =	vst v63  }
0x56: {  	_ =	swait.ge [sflag:s19], $0x2800  }
0x57: {  	s24 =	sadd.s32 $0x1, s24;
	[sflag:s19] =	ssyncset.done $0x0  }
0x58: {  	p0 =	sne.s32 s24, s8;
	[sflag:s19] =	ssyncadd.s32 $0xFFFFD800  }
.Ltmp1:
0x59: {  	[bflag:$0x0] =	sbarrier.arrive $0xFFFF;
	(pc) =	sbr.rel @p0 .LBB2_1-.Ltmp1, $4  }
0x5a: {  	[hbm:s23], [sflag:s6] =	dma.local [spmem:s9], $0x2780  }
0x5b: {  	_ =	swait.ge [sflag:s10], $0x2780  }
0x5c: {  	[sflag:s10] =	ssyncset.done $0x0  }
0x5d: {  	[sflag:s10] =	ssyncadd.s32 $0xFFFFD880  }
0x5e: {  	_ =	sfence.sel $0x180000  }
0x5f: {  	[bflag:$0x0] =	sbarrier.arrive $0xFFFF  }
0x60: {  	p0 =	sne.s32 s0, $0x0;
	_ =	strace $0x9000004D  }
0x61: {  	s0 =	sadd.s32 @!p0 $0x100000, s1;
	[bflag:$0x2] =	sbarrier.arrive $0xFFFF  }
0x62: {  	[sflag:s0] =	ssyncadd.tile.s32 @!p0 $0x1;
	_ =	shalt  }
.Lfunc_end2:
_tile_overlayer_lowered:
.L_overlay_start_2:
0x63: {  	(tag) =	ssettag $0x2  }
0x64: {  	s0 =	rddreg [dreg:$0x0];
	s2 =	stileid.u32  }
0x65: {  	s1 =	rddreg [dreg:$0x1];
	p0 =	sne.s32 s2, $0x0  }
0x66: {  	s3 =	rddreg [dreg:$0x2];
	[bflag:$0x3] =	sbarrier.arrive $0xFFFF;
	s2 =	simm.s32 @!p0 $0x1C05  }
0x67: {  	[timem:s3], [sflag:s2] =	dma.local @!p0 [hbm:s0], s1  }
0x68: {  	s0 =	simm.s32 @!p0 $0x5  }
0x69: {  	_ =	swait.ge @!p0 [sflag:s0], s1  }
0x6a: {  	s1 =	ssub.s32 @!p0 $0x0, s1;
	[sflag:s0] =	ssyncset.done @!p0 $0x0  }
0x6b: {  	[sflag:s0] =	ssyncadd.s32 @!p0 s1  }
0x6c: {  	[bflag:$0x3] =	sbarrier.arrive $0xFFFF  }
0x6d: {  	_ =	shalt  }

// kernel: kernel.8.cloned.1.call-start
scs
__scs_entry_jumppad:
0x0: {  	(pc) =	sbr.rel $0x88, $3  }
0x1: {  	(tag) =	ssettag $0x0;
	lr =	simm.s32 $0x1  }
0x2: {  	[smem:$0x3F96] =	sst lr;
	_ =	strace $0xD0000000  }
0x3: {  	_ = 	snop  }
0x4: {  	_ = 	snop  }
0x5: {  	_ = 	snop  }
0x6: {  	_ = 	snop  }
0x7: {  	_ = 	snop  }
__scs_overlays_trampoline_lowered:
0x8: {  	[smem:$0x3FA5] =	sst s0  }
0x9: {  	[smem:$0x3FA6] =	sst s1  }
0xa: {  	[smem:$0x3FA7] =	sst s2  }
0xb: {  	[smem:$0x3FA8] =	sst s3  }
0xc: {  	[smem:$0x3FA9] =	sst s4  }
0xd: {  	[smem:$0x3FAA] =	sst s5  }
0xe: {  	[smem:$0x3FAB] =	sst s6  }
0xf: {  	[smem:$0x3FAC] =	sst s7  }
0x10: {  	[smem:$0x3FAD] =	sst s8  }
0x11: {  	[smem:$0x3FAE] =	sst s9;
	s0 =	simm.s32 @!p0 $0x0  }
0x12: {  	s1 =	sld [smem:$0x3F94];
	s0 =	simm.s32 @p0 $0x1  }
0x13: {  	[smem:$0x3FAF] =	sst s0;
	s0 =	simm.s32 @!p1 $0x0  }
0x14: {  	s2 =	sld [smem:$0x3F93];
	s0 =	simm.s32 @p1 $0x1  }
0x15: {  	[smem:$0x3FB0] =	sst s0;
	s0 =	simm.s32 @!p2 $0x0  }
0x16: {  	s3 =	sld [smem:$0x3FDB];
	s0 =	simm.s32 @p2 $0x1  }
0x17: {  	s4 =	simm.s32 $0x1BF5;
	[smem:$0x3FB2] =	sst s0  }
0x18: {  	s0 =	sld [smem:$0x3F95];
	_ =	swait.ge [sflag:s4], $0x0  }
0x19: {  	s7 =	sld [smem:$0x3F96]  }
0x1a: {  	s8 =	sadd.s32 $0xFFFFE003, lr  }
0x1b: {  	s9 =	sadd.s32 $0xFFFFFEF7, lr;
	s5 =	simm.s32 $0xFFFFFFFF;
	p2 =	slt.u32 s8, $0xFFFFF086  }
0x1c: {  	p1 =	slt.u32 s9, $0xF7A;
	s5 =	simm.s32 @!p2 $0x0  }
0x1d: {  	s5 =	simm.s32 @p1 $0x1;
	p0 =	seq.s32 s7, s2  }
0x1e: {  	s7 =	smul.u32 @!p0 $0xF7A, s2;
	p2 =	seq.s32 @!p0 s5, $0x0  }
0x1f: {  	s9 =	smul.u32 $0xF7A, s1;
	s8 =	simm.s32 @!p0 $0x1BF5;
	p2 =	por !p2, p0  }
0x20: {  	[sflag:s8] =	ssyncset.s32 @!p0 $0xFFFFF086;
	s6 =	sadd.s32 @!p0 s3, s7;
	s7 =	simm.s32 @!p0 $0x108  }
0x21: {  	s3 =	sadd.s32 s3, s9;
	s6 =	sadd.s32 @!p0 $0x88, s6;
	s7 =	simm.s32 @p2 $0x1082  }
0x22: {  	[simem:s7], [sflag:s8] =	dma.local @!p0 [hbm:s6], $0xF7A  }
0x23: {  	s9 =	sor.u32 $0xD0000000, s2;
	s6 =	simm.s32 $0x108;
	_ =	swait.ge @!p0 [sflag:s8], $0x0  }
0x24: {  	s3 =	sadd.s32 $0x88, s3;
	s6 =	simm.s32 @!p1 $0x1082;
	[sflag:s4] =	ssyncset.s32 $0xFFFFF086  }
0x25: {  	[simem:s6], [sflag:s4] =	dma.local [hbm:s3], $0xF7A  }
0x26: {  	[smem:$0x3F96] =	sst s1;
	(tag) =	ssettag s2;
	_ =	strace s9  }
0x27: {  	s1 =	sld [smem:$0x3FA6]  }
0x28: {  	s2 =	sld [smem:$0x3FA7]  }
0x29: {  	s4 =	sld [smem:$0x3FA9]  }
0x2a: {  	p0 =	seq.s32 s5, $0x0;
	s5 =	sld [smem:$0x3FAA]  }
0x2b: {  	s6 =	sld [smem:$0x3FAB]  }
0x2c: {  	s7 =	sld [smem:$0x3FAC]  }
0x2d: {  	s3 =	simm.s32 $0x108;
	s8 =	sld [smem:$0x3FAD]  }
0x2e: {  	s3 =	simm.s32 @!p0 $0x1082;
	s9 =	sld [smem:$0x3FAE]  }
0x2f: {  	lr =	sadd.s32 s0, s3;
	s0 =	sld [smem:$0x3FA5]  }
0x30: {  	s3 =	sld [smem:$0x3FA8]  }
0x31: {  	[smem:$0x3FB1] =	sst s10  }
0x32: {  	s10 =	sld [smem:$0x3FAF];
	_ =	sdelay $0x3  }
0x33: {  	p0 =	seq.s32 s10, $0x1;
	s10 =	sld [smem:$0x3FB1];
	_ =	sdelay $0x3  }
0x34: {  	[smem:$0x3FB1] =	sst s10  }
0x35: {  	s10 =	sld [smem:$0x3FB0];
	_ =	sdelay $0x3  }
0x36: {  	p1 =	seq.s32 s10, $0x1;
	s10 =	sld [smem:$0x3FB1];
	_ =	sdelay $0x3  }
0x37: {  	[smem:$0x3FB1] =	sst s10  }
0x38: {  	s10 =	sld [smem:$0x3FB2]  }
0x39: {  	_ = 	snop;
	(pc) =	sbr.ind lr, $3  }
0x3a: {  	_ = 	snop  }
0x3b: {  	_ = 	snop  }
0x3c: {  	p2 =	seq.s32 s10, $0x1;
	s10 =	sld [smem:$0x3FB1]  }
0x3d: {  	_ =	shalt  }
0x3e: {  	_ =	shalt  }
0x3f: {  	_ =	shalt  }
0x40: {  	_ =	shalt  }
0x41: {  	_ =	shalt  }
0x42: {  	_ =	shalt  }
0x43: {  	_ =	shalt  }
0x44: {  	_ =	shalt  }
0x45: {  	_ =	shalt  }
0x46: {  	_ =	shalt  }
0x47: {  	_ =	shalt  }
0x48: {  	_ =	shalt  }
0x49: {  	_ =	shalt  }
0x4a: {  	_ =	shalt  }
0x4b: {  	_ =	shalt  }
0x4c: {  	_ =	shalt  }
0x4d: {  	_ =	shalt  }
0x4e: {  	_ =	shalt  }
0x4f: {  	_ =	shalt  }
0x50: {  	_ =	shalt  }
0x51: {  	_ =	shalt  }
0x52: {  	_ =	shalt  }
0x53: {  	_ =	shalt  }
0x54: {  	_ =	shalt  }
0x55: {  	_ =	shalt  }
0x56: {  	_ =	shalt  }
0x57: {  	_ =	shalt  }
0x58: {  	_ =	shalt  }
0x59: {  	_ =	shalt  }
0x5a: {  	_ =	shalt  }
0x5b: {  	_ =	shalt  }
0x5c: {  	_ =	shalt  }
0x5d: {  	_ =	shalt  }
0x5e: {  	_ =	shalt  }
0x5f: {  	_ =	shalt  }
0x60: {  	_ =	shalt  }
0x61: {  	_ =	shalt  }
0x62: {  	_ =	shalt  }
0x63: {  	_ =	shalt  }
0x64: {  	_ =	shalt  }
0x65: {  	_ =	shalt  }
0x66: {  	_ =	shalt  }
0x67: {  	_ =	shalt  }
0x68: {  	_ =	shalt  }
0x69: {  	_ =	shalt  }
0x6a: {  	_ =	shalt  }
0x6b: {  	_ =	shalt  }
0x6c: {  	_ =	shalt  }
0x6d: {  	_ =	shalt  }
0x6e: {  	_ =	shalt  }
0x6f: {  	_ =	shalt  }
0x70: {  	_ =	shalt  }
0x71: {  	_ =	shalt  }
0x72: {  	_ =	shalt  }
0x73: {  	_ =	shalt  }
0x74: {  	_ =	shalt  }
0x75: {  	_ =	shalt  }
0x76: {  	_ =	shalt  }
0x77: {  	_ =	shalt  }
0x78: {  	_ =	shalt  }
0x79: {  	_ =	shalt  }
0x7a: {  	_ =	shalt  }
0x7b: {  	_ =	shalt  }
0x7c: {  	_ =	shalt  }
0x7d: {  	_ =	shalt  }
0x7e: {  	_ =	shalt  }
0x7f: {  	_ =	shalt  }
0x80: {  	_ =	shalt  }
0x81: {  	_ =	shalt  }
0x82: {  	_ =	shalt  }
0x83: {  	_ =	shalt  }
0x84: {  	_ =	shalt  }
0x85: {  	_ =	shalt  }
0x86: {  	_ =	shalt  }
0x87: {  	_ =	shalt  }
.Lfunc_end0:
.L_simem_size_0:
called_computation_lowered:
.L_overlay_start_0:
0x88: {  	s2 =	sld [smem:$0x3FD9]  }
0x89: {  	s3 =	sld [smem:$0x3FFE];
	_ =	sdelay $0x1  }
0x8a: {  	s1 =	srdreg.scid  }
0x8b: {  	s0 =	sand.u32 $0x1, s1  }
0x8c: {  	s17 =	sshll.u32 s0, $0xA;
	s2 =	sadd.s32 s3, s2  }
0x8d: {  	s2 =	sadd.s32 s2, s17  }
0x8e: {  	[smem:$0x3FBD] =	sst s2  }
0x8f: {  	_ = 	snop  }
0x90: {  	s2 =	sld [smem:$0x3FD0];
	(tm) =	ssettm $0x1  }
0x91: {  	s18 =	sld [smem:$0x3FFB];
	_ =	sdelay $0x3  }
0x92: {  	_ =	strace s18  }
0x93: {  	s3 =	sld [smem:$0x3FFC];
	_ =	sdelay $0x3  }
0x94: {  	_ =	strace s3  }
0x95: {  	s3 =	sld [smem:$0x3FFD];
	_ =	sdelay $0x3  }
0x96: {  	_ =	strace s3  }
0x97: {  	_ =	strace $0x8FFFFFFF  }
0x98: {  	s19 =	sld [smem:$0x3FDB];
	_ =	sdelay $0x1  }
0x99: {  	s4 =	simm.s32 $_scs_section_size  }
0x9a: {  	s5 =	simm.s32 $_size__tile_overlayer_lowered;
	s6 =	simm.s32 $_tile_overlayer_lowered  }
0x9b: {  	s22 =	simm.s32 $0x1BFF;
	s21 =	sshll.u32 s6, $0x1;
	s3 =	sadd.s32 s4, s19  }
0x9c: {  	s7 =	simm.s32 $0x0;
	s20 =	sshll.u32 s5, $0x1;
	s5 =	sadd.s32 s21, s3  }
0x9d: {  	[timem:s7], [sflag:s22] =	dma.local [hbm:s5], s20  }
0x9e: {  	_ =	swait.ge [sflag:s22], s20  }
0x9f: {  	s4 =	ssub.s32 $0x0, s20;
	[sflag:s22] =	ssyncset.done $0x0  }
0xa0: {  	[sflag:s22] =	ssyncadd.s32 s4;
	_ =	sdelay $0x1  }
0xa1: {  	s23 =	simm.s32 $0x1B8B  }
0xa2: {  	_ =	swait.ge [sflag:s23], $0x1  }
0xa3: {  	[sflag:s23] =	ssyncset.done $0x0  }
0xa4: {  	s25 =	simm.s32 $0x1B8E;
	s24 =	sld [smem:$0x3FFE];
	[sflag:s23] =	ssyncadd.s32 $0xFFFFFFFF  }
0xa5: {  	s26 =	simm.s32 $execute0_lowered;
	[smem:$0x3FD2] =	sst s25  }
0xa6: {  	s5 =	sshll.u32 s26, $0x1;
	_ =	strace $0x80000046;
	[dreg:$0x1] =	wrdreg $0xFFFFFFFF  }
0xa7: {  	s28 =	simm.s32 $_size_execute0_lowered;
	s3 =	sadd.s32 s3, s5;
	[dreg:$0x0] =	wrdreg $0x0  }
0xa8: {  	s5 =	sshll.u32 s28, $0x1;
	[dreg:$0x2] =	wrdreg s3  }
0xa9: {  	[dreg:$0x3] =	wrdreg s5  }
0xaa: {  	[dreg:$0x4] =	wrdreg $0xC0  }
0xab: {  	_ =	task [dreg:s7], $0x5FFFF  }
0xac: {  	[dreg:$0x1] =	wrdreg $0xFFFFFFFF  }
0xad: {  	[dreg:$0x0] =	wrdreg $0x60  }
0xae: {  	[dreg:$0x2] =	wrdreg s24  }
0xaf: {  	[dreg:$0x3] =	wrdreg s2  }
0xb0: {  	[dreg:$0x4] =	wrdreg $0x68000  }
0xb1: {  	[dreg:$0x5] =	wrdreg $0x9  }
0xb2: {  	_ =	task.clear_ibuf [dreg:s7], $0x6FFFF;
	_ =	strace $0x90000046  }
0xb3: {  	s29 =	simm.s32 $0x9;
	_ =	strace $0x80000048  }
0xb4: {  	_ =	swait.ge [sflag:s29], $0x1  }
0xb5: {  	[sflag:s29] =	ssyncadd.s32 $0xFFFFFFFF  }
0xb6: {  	_ =	strace $0x90000048  }
0xb7: {  	_ =	sfence  }
0xb8: {  	s30 =	sld [smem:$0x0];
	_ =	sdelay $0x2  }
0xb9: {  	s31 =	sshll.u32 s1, $0xD;
	s1 =	sshrl.u32 s1, $0x2  }
0xba: {  	s3 =	sand.u32 $0x4000, s31;
	s1 =	sadd.s32 s1, s30  }
0xbb: {  	s0 =	sor.u32 s3, s0;
	s1 =	sshll.u32 s1, $0x11  }
0xbc: {  	s0 =	sor.u32 s1, s0  }
0xbd: {  	s0 =	sadd.s32 $0x8F2B, s0  }
0xbe: {  	[sflag:s0] =	ssyncadd.remote.s32 $0x1  }
0xbf: {  	_ =	sfence.sel $0xFFFF  }
0xc0: {  	[dreg:$0x0] =	wrdreg $0xFFFFFFFF;
	(pc) =	sbr.abs _section_cstart, $3  }
0xc1: {  	[dreg:$0x1] =	wrdreg $0xFFFFFFFF  }
0xc2: {  	_ =	task.clear_ibuf [dreg:s7], $0x2FFFF;
	_ =	strace $0x9FFFFFFF  }
0xc3: {  	(tm) =	ssettm $0x7FFFFFFF  }
tec
execute0_lowered:
.L_overlay_start_1:
0x0: {  	(tag) =	ssettag $0x1  }
0x1: {  	s7 =	rddreg [dreg:$0x0]  }
0x2: {  	s1 =	rddreg [dreg:$0x1]  }
0x3: {  	s3 =	rddreg [dreg:$0x2]  }
0x4: {  	s0 =	rddreg [dreg:$0x3];
	s4 =	simm.s32 $0x0;
	s5 =	srdreg.scid  }
0x5: {  	s2 =	stileid.u32;
	[smem:$0x7FF] =	sst s4;
	s8 =	sand.u32 $0x1, s5  }
0x6: {  	s6 =	smul.u32 $0x278, s2;
	s5 =	sadd.s32 $0x22C00, s7;
	s31 =	sshll.u32 s2, $0x6  }
0x7: {  	s13 =	sshll.u32 s2, $0xB;
	s14 =	sadd.s32 $0x12C00, s7;
	_ =	strace $0x80000047  }
0x8: {  	s9 =	smul.u32 $0x27100, s8;
	s10 =	ssub.s32 $0x2, s8;
	s8 =	sshll.u32 s8, $0xF  }
0x9: {  	s11 =	smin.u32 s6, $0x2498;
	s30 =	sshrl.u32 s10, $0x1;
	s6 =	sor.u32 $0x1C01, s31  }
0xa: {  	s13 =	sor.u32 s13, s8;
	s9 =	sadd.s32 s9, s7;
	s12 =	sshll.u32 s11, $0x7  }
0xb: {  	s10 =	ssub.s32 s10, s30;
	s16 =	sshll.u32 s11, $0x4;
	s11 =	sadd.s32 s14, s13  }
0xc: {  	s14 =	simm.s32 $0x0;
	s12 =	sadd.s32 s12, s3;
	s15 =	sadd.s32 $0x25400, s9  }
0xd: {  	s7 =	smax.u32 s10, $0x1;
	s9 =	simm.s32 $0x1;
	s10 =	simm.s32 $0x4000  }
0xe: {  	s8 =	sshrl.u32 s12, $0x3;
	s12 =	simm.s32 $0x50;
	s13 =	sadd.s32 s16, s15  }
.LBB2_1:
0xf: {  	[spmem:s8], [sflag:s6] =	dma.local [hbm:s5], $0x2780  }
0x10: {  	_ =	swait.ge [sflag:s9], $0x2780  }
0x11: {  	[sflag:s9] =	ssyncset.done $0x0  }
0x12: {  	[sflag:s9] =	ssyncadd.s32 $0xFFFFD880  }
0x13: {  	[tilespmem:s10], [sflag:$0x1] =	stream.linear.gather [hbm4b:s1+s4], $0x2800, $0x38;
	[tilespmem:$0x1A080] =	vst v63  }
0x14: {  	_ =	swait.ge [sflag:s9], $0x2800  }
0x15: {  	[sflag:s9] =	ssyncset.done $0x0  }
0x16: {  	[sflag:s9] =	ssyncadd.s32 $0xFFFFD800  }
0x17: {  	[tilespmem:s4], [sflag:$0x1] =	stream.linear.gather [hbm4b:s11+s4], $0x3E80, $0x38;
	[tilespmem:$0x1A080] =	vst v63  }
0x18: {  	_ =	swait.ge [sflag:s9], $0x3E80  }
0x19: {  	[sflag:s9] =	ssyncset.done $0x0  }
0x1a: {  	[sflag:s9] =	ssyncadd.s32 $0xFFFFC180  }
0x1b: {  	s15 =	simm.s32 $0x0;
	[bflag:$0x0] =	sbarrier.arrive $0xFFFF  }
0x1c: {  	[spmem:s3] =	stream.indirect.scatter.add.f32 [tilespmem:s10], [sflag:$0x1], $0x80, s15, s12, $0xb8;
	[tilespmem:$0x1A080] =	vst v63  }
0x1d: {  	_ =	swait.ge [sflag:s9], $0x2800  }
0x1e: {  	s15 =	simm.s32 $0x200;
	[sflag:s9] =	ssyncset.done $0x0  }
.LBB2_2:
0x1f: {  	s16 =	sshra.s32 s15, $0x2;
	[sflag:s9] =	ssyncadd.s32 $0xFFFFD800;
	p0 =	sne.s32 s15, $0xF800  }
0x20: {  	[spmem:s3] =	stream.indirect.scatter.add.f32 [tilespmem:s10], [sflag:$0x1], $0x80, s16, s12, $0xb8;
	[tilespmem:$0x1A080] =	vst v63  }
.Ltmp0:
0x21: {  	_ = 	snop;
	(pc) =	sbr.rel @p0 .LBB2_2-.Ltmp0, $4  }
0x22: {  	_ = 	snop  }
0x23: {  	s15 =	sadd.s32 $0x200, s15  }
0x24: {  	_ =	swait.ge [sflag:s9], $0x2800  }
0x25: {  	[sflag:s9] =	ssyncset.done $0x0  }
0x26: {  	s14 =	sadd.s32 $0x1, s14  }
0x27: {  	[sflag:s9] =	ssyncadd.s32 $0xFFFFD800;
	p0 =	sne.s32 s14, s7  }
.Ltmp1:
0x28: {  	[bflag:$0x0] =	sbarrier.arrive $0xFFFF;
	(pc) =	sbr.rel @p0 .LBB2_1-.Ltmp1, $4  }
0x29: {  	[hbm:s13], [sflag:s6] =	dma.local [spmem:s8], $0x2780  }
0x2a: {  	_ =	swait.ge [sflag:s9], $0x2780  }
0x2b: {  	[sflag:s9] =	ssyncset.done $0x0  }
0x2c: {  	[sflag:s9] =	ssyncadd.s32 $0xFFFFD880  }
0x2d: {  	_ =	sfence.sel $0x180000  }
0x2e: {  	[bflag:$0x0] =	sbarrier.arrive $0xFFFF  }
0x2f: {  	p0 =	sne.s32 s2, $0x0;
	_ =	strace $0x90000047  }
0x30: {  	s0 =	sadd.s32 @!p0 $0x100000, s0;
	[bflag:$0x2] =	sbarrier.arrive $0xFFFF  }
0x31: {  	[sflag:s0] =	ssyncadd.tile.s32 @!p0 $0x1;
	_ =	shalt  }
.Lfunc_end2:
_tile_overlayer_lowered:
.L_overlay_start_2:
0x32: {  	(tag) =	ssettag $0x2  }
0x33: {  	s0 =	rddreg [dreg:$0x0];
	s2 =	stileid.u32  }
0x34: {  	s1 =	rddreg [dreg:$0x1];
	p0 =	sne.s32 s2, $0x0  }
0x35: {  	s3 =	rddreg [dreg:$0x2];
	[bflag:$0x3] =	sbarrier.arrive $0xFFFF;
	s2 =	simm.s32 @!p0 $0x1C01  }
0x36: {  	[timem:s3], [sflag:s2] =	dma.local @!p0 [hbm:s0], s1  }
0x37: {  	s0 =	simm.s32 @!p0 $0x1  }
0x38: {  	_ =	swait.ge @!p0 [sflag:s0], s1  }
0x39: {  	s1 =	ssub.s32 @!p0 $0x0, s1;
	[sflag:s0] =	ssyncset.done @!p0 $0x0  }
0x3a: {  	[sflag:s0] =	ssyncadd.s32 @!p0 s1  }
0x3b: {  	[bflag:$0x3] =	sbarrier.arrive $0xFFFF  }
0x3c: {  	_ =	shalt  }

</sc_bundles>
